<compile_context>
chip_gen: v7x
topology: tpu7x:2x2x1
jax: 0.10.2.dev20260603
libtpu: 0.0.44.dev20260713+nightly
codegen_flags: <defaults>
</compile_context>

<pallas_src>
import functools

import jax
import jax.numpy as jnp
from jax import lax
from jax.experimental import pallas as pl
from jax.experimental.pallas import tpu as pltpu
from jax.experimental.pallas import tpu_sc as plsc

N = 10000
NP = 10112
E = 320000
NG = 64
F_IN = 128
H = 16

NC = 2
NS = 16
NW = NC * NS
CB = 128
NCH = 80
EP = NW * NCH * CB
RPT = NP // NS

_mesh = plsc.VectorSubcoreMesh(core_axis_name="c", subcore_axis_name="s")
_params = pltpu.CompilerParams(use_tc_tiling_on_sc=False)
_f32 = jnp.float32



@functools.partial(
    pl.kernel,
    out_type=jax.ShapeDtypeStruct((NC, NP, H), _f32),
    mesh=_mesh,
    compiler_params=_params,
    scratch_types=[
        pltpu.VMEM((NCH, CB), jnp.int32),
        pltpu.VMEM((CB, H), _f32),
        pltpu.VMEM_SHARED((NP, H), _f32),
        pltpu.SemaphoreType.DMA,
    ],
)
def _sc_degree(dst3, zeros_hbm, ones_hbm, out, didx, onesb, acc_sh, sem):
    cid = lax.axis_index("c")
    sid = lax.axis_index("s")
    wid = sid * NC + cid
    row0 = sid * RPT
    pltpu.sync_copy(zeros_hbm.at[pl.ds(row0, RPT)], acc_sh.at[pl.ds(row0, RPT)])
    pltpu.sync_copy(dst3.at[wid], didx)
    pltpu.sync_copy(ones_hbm, onesb)
    plsc.subcore_barrier()

    def body(j, carry):
        pltpu.sync_copy(onesb, acc_sh.at[didx.at[j]], add=True)
        return carry

    lax.fori_loop(0, NCH, body, 0)
    plsc.subcore_barrier()
    pltpu.sync_copy(acc_sh.at[pl.ds(row0, RPT)], out.at[cid, pl.ds(row0, RPT)])


@functools.partial(
    pl.kernel,
    out_type=jax.ShapeDtypeStruct((NC, NP, H), _f32),
    mesh=_mesh,
    compiler_params=_params,
    scratch_types=[
        pltpu.VMEM((NCH, CB), jnp.int32),
        pltpu.VMEM((NCH, CB), jnp.int32),
        pltpu.VMEM((CB, H), _f32),
        pltpu.VMEM((CB, H), _f32),
        pltpu.VMEM_SHARED((NP, H), _f32),
        pltpu.VMEM_SHARED((NP, H), _f32),
        pltpu.SemaphoreType.DMA,
        pltpu.SemaphoreType.DMA,
    ],
)
def _sc_scatter(src3, dst3, g_hbm, zeros_hbm, out,
                sidx, didx, bufa, bufb, g_sh, acc_sh, sema, semb):
    cid = lax.axis_index("c")
    sid = lax.axis_index("s")
    wid = sid * NC + cid
    row0 = sid * RPT
    pltpu.sync_copy(zeros_hbm.at[pl.ds(row0, RPT)], acc_sh.at[pl.ds(row0, RPT)])
    pltpu.sync_copy(g_hbm.at[pl.ds(row0, RPT)], g_sh.at[pl.ds(row0, RPT)])
    pltpu.sync_copy(src3.at[wid], sidx)
    pltpu.sync_copy(dst3.at[wid], didx)
    plsc.subcore_barrier()

    def gather(j, buf, sem):
        pltpu.async_copy(g_sh.at[sidx.at[j]], buf, sem)

    def gwait(j, buf, sem):
        pltpu.make_async_copy(g_sh.at[sidx.at[j]], buf, sem).wait()

    def scatter(j, buf):
        pltpu.sync_copy(buf, acc_sh.at[didx.at[j]], add=True)

    gather(0, bufa, sema)

    def body(k, carry):
        ja = 2 * k
        gather(ja + 1, bufb, semb)
        gwait(ja, bufa, sema)
        scatter(ja, bufa)

        @pl.when(ja + 2 < NCH)
        def _():
            gather(ja + 2, bufa, sema)

        gwait(ja + 1, bufb, semb)
        scatter(ja + 1, bufb)
        return carry

    lax.fori_loop(0, NCH // 2, body, 0)
    plsc.subcore_barrier()
    pltpu.sync_copy(acc_sh.at[pl.ds(row0, RPT)], out.at[cid, pl.ds(row0, RPT)])



PR = NP * H // 128
PRN = N * H // 128


def _tc1_body(xr_ref, w1bd_ref, dp_ref, h1_ref, g1_ref, di_ref):
    deg = dp_ref[0] + dp_ref[1] + 1.0
    dip = lax.rsqrt(deg)
    h1 = jnp.dot(xr_ref[:, 0, :], w1bd_ref[0], preferred_element_type=_f32)
    for k in range(1, 8):
        h1 = h1 + jnp.dot(xr_ref[:, k, :], w1bd_ref[k],
                          preferred_element_type=_f32)
    h1_ref[0:PRN] = h1
    h1_ref[PRN:PR] = jnp.zeros((PR - PRN, 128), _f32)
    g1_ref[0:PRN] = dip[0:PRN] * h1
    g1_ref[PRN:PR] = jnp.zeros((PR - PRN, 128), _f32)
    di_ref[...] = dip


def _tc2_body(a1_ref, h1_ref, di_ref, b1t_ref, w2bd_ref, h2_ref, g2_ref):
    dip = di_ref[...]
    r = jnp.maximum(
        dip * (a1_ref[0] + a1_ref[1]) + dip * dip * h1_ref[...]
        + b1t_ref[...], 0.0)
    h2 = jnp.dot(r, w2bd_ref[...], preferred_element_type=_f32)
    h2_ref[...] = h2
    g2_ref[...] = dip * h2


def _tc3_body(a2_ref, h2_ref, di_ref, b2t_ref, batch8_ref, wfc_ref,
              bfc_ref, y_ref):
    dip = di_ref[...]
    out2p = (dip * (a2_ref[0] + a2_ref[1]) + dip * dip * h2_ref[...]
             + b2t_ref[...])[0:PRN]
    gids = lax.broadcasted_iota(jnp.int32, (1, NG), 1)
    ones_col = jnp.ones((PRN, 1), _f32)
    sums = jnp.zeros((NG, H), _f32)
    cnt = jnp.zeros((NG, 1), _f32)
    for k in range(8):
        ohk = (batch8_ref[k][:, None] == gids).astype(_f32)
        part = lax.dot_general(ohk, out2p, (((0,), (0,)), ((), ())),
                               preferred_element_type=_f32)
        sums = sums + part[:, H * k:H * (k + 1)]
        cnt = cnt + lax.dot_general(ohk, ones_col, (((0,), (0,)), ((), ())),
                                    preferred_element_type=_f32)
    pooled = sums / jnp.maximum(cnt, 1.0)
    y_ref[...] = jnp.dot(pooled, wfc_ref[...], preferred_element_type=_f32) \
        + bfc_ref[...]


_tc1 = pl.pallas_call(
    _tc1_body,
    out_shape=[jax.ShapeDtypeStruct((PR, 128), _f32)] * 3,
)

_tc2 = pl.pallas_call(
    _tc2_body,
    out_shape=[jax.ShapeDtypeStruct((PR, 128), _f32)] * 2,
)

_tc3 = pl.pallas_call(
    _tc3_body,
    out_shape=jax.ShapeDtypeStruct((NG, 1), _f32),
)


def _blockdiag8(w):
    k = w.shape[0]
    return (jnp.eye(8, dtype=_f32)[:, None, :, None]
            * w[None, :, None, :]).reshape(8, k, 8 * H)



def kernel(x, edge_index, batch, W1, b1, W2, b2, Wfc, bfc):
    ei = edge_index.astype(jnp.int32)
    trash = N + jnp.arange(EP - E, dtype=jnp.int32) % (NP - N)
    src = jnp.concatenate(
        [ei[0], jnp.zeros((EP - E,), jnp.int32)]).reshape(NW, NCH, CB)
    dst = jnp.concatenate([ei[1], trash]).reshape(NW, NCH, CB)
    xr = x.reshape(PRN, 8, F_IN)
    zeros = jnp.zeros((NP, H), _f32)
    ones_rows = jnp.ones((CB, H), _f32)

    degp = _sc_degree(dst, zeros, ones_rows)
    h1, g1, di = _tc1(xr, _blockdiag8(W1), degp.reshape(NC, PR, 128))
    acc1 = _sc_scatter(src, dst, g1.reshape(NP, H), zeros)
    h2, g2 = _tc2(acc1.reshape(NC, PR, 128), h1, di,
                  jnp.tile(b1, 8).reshape(1, 128),
                  _blockdiag8(W2).reshape(8 * H, 8 * H))
    acc2 = _sc_scatter(src, dst, g2.reshape(NP, H), zeros)
    batch8 = batch.astype(jnp.int32).reshape(PRN, 8).T
    y = _tc3(acc2.reshape(NC, PR, 128), h2, di,
             jnp.tile(b2, 8).reshape(1, 128), batch8,
             Wfc, bfc.reshape(1, 1))
    return y

# --- scband reference (transcript-rebuilt; emitter-appended) ---
"""Pipeline reference for scband-gcnregression-51513837748307 (READ-ONLY COPY).

The authoritative reference and input builder live on the scoring server;
editing this copy changes nothing except your own understanding.
"""

import jax, jax.numpy as jnp
import numpy as np

N_NODES = 10000
N_EDGES = 320000
F_IN = 128
H = 16
N_GRAPHS = 64


def setup_inputs(seed: int = 0) -> dict:
    key = jax.random.key(seed)
    ks = jax.random.split(key, 10)
    x = jax.random.normal(ks[0], (N_NODES, F_IN), dtype=jnp.float32)
    edge_index = jax.random.randint(ks[1], (2, N_EDGES), 0, N_NODES, dtype=jnp.int64)
    batch = jnp.sort(jax.random.randint(ks[2], (N_NODES,), 0, N_GRAPHS, dtype=jnp.int64))
    # learned parameters (GCNConv uses glorot-style init; scale is arbitrary for reference)
    W1 = jax.random.normal(ks[3], (F_IN, H), dtype=jnp.float32) * (1.0 / np.sqrt(F_IN))
    b1 = jnp.zeros((H,), dtype=jnp.float32)
    W2 = jax.random.normal(ks[4], (H, H), dtype=jnp.float32) * (1.0 / np.sqrt(H))
    b2 = jnp.zeros((H,), dtype=jnp.float32)
    Wfc = jax.random.normal(ks[5], (H, 1), dtype=jnp.float32) * (1.0 / np.sqrt(H))
    bfc = jnp.zeros((1,), dtype=jnp.float32)
    return {"x": x, "edge_index": edge_index, "batch": batch,
            "W1": W1, "b1": b1, "W2": W2, "b2": b2, "Wfc": Wfc, "bfc": bfc}


def _gcn_conv(x, edge_index, W, b, num_nodes):
    # PyG GCNConv: out = D^{-1/2} (A + I) D^{-1/2} X W + b
    src = edge_index[0]
    dst = edge_index[1]
    loop = jnp.arange(num_nodes, dtype=src.dtype)
    src = jnp.concatenate([src, loop])
    dst = jnp.concatenate([dst, loop])
    deg = jnp.zeros((num_nodes,), dtype=jnp.float32).at[dst].add(1.0)
    dinv = jnp.where(deg > 0, jax.lax.rsqrt(deg), 0.0)
    norm = dinv[src] * dinv[dst]
    h = x @ W
    msg = h[src] * norm[:, None]
    out = jnp.zeros((num_nodes, W.shape[1]), dtype=h.dtype).at[dst].add(msg)
    return out + b


def reference(x, edge_index, batch, W1, b1, W2, b2, Wfc, bfc):
    n = x.shape[0]
    h = _gcn_conv(x, edge_index, W1, b1, n)
    h = jax.nn.relu(h)
    # F.dropout(training=self.training): module evaluated in eval mode -> identity
    h = _gcn_conv(h, edge_index, W2, b2, n)
    # global_mean_pool over graph ids
    sums = jax.ops.segment_sum(h, batch, num_segments=N_GRAPHS)
    cnt = jax.ops.segment_sum(jnp.ones((n, 1), dtype=h.dtype), batch, num_segments=N_GRAPHS)
    pooled = sums / jnp.maximum(cnt, 1.0)
    return pooled @ Wfc + bfc

if __name__ == "__main__":
    import jax
    _d = setup_inputs()
    print(jax.jit(kernel)(*tuple(_d.values())))

</pallas_src>

<mosaic_0001>
#map = affine_map<(d0, d1) -> (0, 0, 0)>
#map1 = affine_map<(d0, d1) -> (0, 0)>
module attributes {stable_mosaic.version = 14 : i64} {
  func.func @_sc_degree(%arg0: i32, %arg1: i32, %arg2: memref<32x80x128xi32, #tpu.memory_space<hbm>>, %arg3: memref<10112x16xf32, #tpu.memory_space<hbm>>, %arg4: memref<128x16xf32, #tpu.memory_space<hbm>>, %arg5: memref<2x10112x16xf32, #tpu.memory_space<hbm>>, %arg6: memref<80x128xi32, #tpu.memory_space<vmem>>, %arg7: memref<128x16xf32, #tpu.memory_space<vmem>>, %arg8: memref<10112x16xf32, #tpu.memory_space<vmem_shared>>, %arg9: memref<!tpu.dma_semaphore, #tpu.memory_space<semaphore_mem>>) attributes {dimension_semantics = [#tpu.dimension_semantics<core_parallel>, #tpu.dimension_semantics<subcore_parallel>], iteration_bounds = array<i64: 2, 16>, scalar_prefetch = 0 : i64, scratch_operands = 4 : i64, tpu.core_type = #tpu.core_type<sc_vector_subcore>, window_params = [{transform_indices = #map}, {transform_indices = #map1}, {transform_indices = #map1}, {transform_indices = #map}]} {
    %mul3A = arith.constant 2 : i32
    %mul3A_0 = arith.muli %arg1, %mul3A : i32
    %add3A = arith.addi %mul3A_0, %arg0 : i32
    %mul3A_1 = arith.constant 632 : i32
    %mul3A_2 = arith.muli %arg1, %mul3A_1 : i32
    "tpu.region"() ({
      %run_scoped3A = tpu.sem_alloc : memref<!tpu.dma_semaphore, #tpu.memory_space<semaphore_mem>>
      %dma_start3A = arith.constant 0 : i32
      %dma_start3A_9 = tpu.memref_slice %arg8[%mul3A_2, %dma_start3A] : memref<10112x16xf32, #tpu.memory_space<vmem_shared>> -> memref<632x16xf32, #tpu.memory_space<vmem_shared>>
      %dma_start3A_10 = arith.constant 0 : i32
      %dma_start3A_11 = tpu.memref_slice %arg3[%mul3A_2, %dma_start3A_10] : memref<10112x16xf32, #tpu.memory_space<hbm>> -> memref<632x16xf32, #tpu.memory_space<hbm>>
      tpu.enqueue_dma source(%dma_start3A_11 : memref<632x16xf32, #tpu.memory_space<hbm>>) target(%dma_start3A_9 : memref<632x16xf32, #tpu.memory_space<vmem_shared>>) target_semaphore(%run_scoped3A : memref<!tpu.dma_semaphore, #tpu.memory_space<semaphore_mem>>)
      %dma_wait3A = arith.constant 0 : i32
      %dma_wait3A_12 = tpu.memref_slice %arg8[%mul3A_2, %dma_wait3A] : memref<10112x16xf32, #tpu.memory_space<vmem_shared>> -> memref<632x16xf32, #tpu.memory_space<vmem_shared>>
      %dma_wait3A_13 = arith.constant 0 : i32
      %dma_wait3A_14 = tpu.memref_slice %arg3[%mul3A_2, %dma_wait3A_13] : memref<10112x16xf32, #tpu.memory_space<hbm>> -> memref<632x16xf32, #tpu.memory_space<hbm>>
      tpu.wait_dma2 semaphore(%run_scoped3A : memref<!tpu.dma_semaphore, #tpu.memory_space<semaphore_mem>>) src(%dma_wait3A_14 : memref<632x16xf32, #tpu.memory_space<hbm>>) dst(%dma_wait3A_12 : memref<632x16xf32, #tpu.memory_space<vmem_shared>>)
      tpu.yield
    }) : () -> ()
    "tpu.region"() ({
      %run_scoped3A = tpu.sem_alloc : memref<!tpu.dma_semaphore, #tpu.memory_space<semaphore_mem>>
      %dma_start3A = arith.constant 0 : i32
      %dma_start3A_9 = arith.constant 0 : i32
      %dma_start3A_10 = tpu.memref_slice %arg2[%add3A, %dma_start3A, %dma_start3A_9] : memref<32x80x128xi32, #tpu.memory_space<hbm>> -> memref<1x80x128xi32, #tpu.memory_space<hbm>>
      %dma_start3A_11 = tpu.memref_squeeze %dma_start3A_10 : memref<1x80x128xi32, #tpu.memory_space<hbm>> -> memref<80x128xi32, #tpu.memory_space<hbm>>
      %dma_start3A_12 = arith.constant 0 : i32
      %dma_start3A_13 = arith.constant 0 : i32
      %dma_start3A_14 = tpu.memref_slice %arg2[%add3A, %dma_start3A_12, %dma_start3A_13] : memref<32x80x128xi32, #tpu.memory_space<hbm>> -> memref<1x80x128xi32, #tpu.memory_space<hbm>>
      %dma_start3A_15 = tpu.memref_squeeze %dma_start3A_14 : memref<1x80x128xi32, #tpu.memory_space<hbm>> -> memref<80x128xi32, #tpu.memory_space<hbm>>
      tpu.enqueue_dma source(%dma_start3A_15 : memref<80x128xi32, #tpu.memory_space<hbm>>) target(%arg6 : memref<80x128xi32, #tpu.memory_space<vmem>>) target_semaphore(%run_scoped3A : memref<!tpu.dma_semaphore, #tpu.memory_space<semaphore_mem>>)
      %dma_wait3A = arith.constant 0 : i32
      %dma_wait3A_16 = arith.constant 0 : i32
      %dma_wait3A_17 = tpu.memref_slice %arg2[%add3A, %dma_wait3A, %dma_wait3A_16] : memref<32x80x128xi32, #tpu.memory_space<hbm>> -> memref<1x80x128xi32, #tpu.memory_space<hbm>>
      %dma_wait3A_18 = tpu.memref_squeeze %dma_wait3A_17 : memref<1x80x128xi32, #tpu.memory_space<hbm>> -> memref<80x128xi32, #tpu.memory_space<hbm>>
      %dma_wait3A_19 = arith.constant 0 : i32
      %dma_wait3A_20 = arith.constant 0 : i32
      %dma_wait3A_21 = tpu.memref_slice %arg2[%add3A, %dma_wait3A_19, %dma_wait3A_20] : memref<32x80x128xi32, #tpu.memory_space<hbm>> -> memref<1x80x128xi32, #tpu.memory_space<hbm>>
      %dma_wait3A_22 = tpu.memref_squeeze %dma_wait3A_21 : memref<1x80x128xi32, #tpu.memory_space<hbm>> -> memref<80x128xi32, #tpu.memory_space<hbm>>
      tpu.wait_dma2 semaphore(%run_scoped3A : memref<!tpu.dma_semaphore, #tpu.memory_space<semaphore_mem>>) src(%dma_wait3A_22 : memref<80x128xi32, #tpu.memory_space<hbm>>) dst(%arg6 : memref<80x128xi32, #tpu.memory_space<vmem>>)
      tpu.yield
    }) : () -> ()
    "tpu.region"() ({
      %run_scoped3A = tpu.sem_alloc : memref<!tpu.dma_semaphore, #tpu.memory_space<semaphore_mem>>
      tpu.enqueue_dma source(%arg4 : memref<128x16xf32, #tpu.memory_space<hbm>>) target(%arg7 : memref<128x16xf32, #tpu.memory_space<vmem>>) target_semaphore(%run_scoped3A : memref<!tpu.dma_semaphore, #tpu.memory_space<semaphore_mem>>)
      tpu.wait_dma2 semaphore(%run_scoped3A : memref<!tpu.dma_semaphore, #tpu.memory_space<semaphore_mem>>) src(%arg4 : memref<128x16xf32, #tpu.memory_space<hbm>>) dst(%arg7 : memref<128x16xf32, #tpu.memory_space<vmem>>)
      tpu.yield
    }) : () -> ()
    %barrier3A = arith.constant 0 : index
    tpu.barrier barrier_id(%barrier3A)
    %scan3A = arith.constant 0 : i32
    %scan3A_3 = arith.constant 0 : i32
    %scan3A_4 = arith.constant 80 : i32
    %scan3A_5 = arith.addi %scan3A_3, %scan3A_4 : i32
    %scan3A_6 = arith.constant 1 : i32
    scf.for %scan3A_9 = %scan3A_3 to %scan3A_5 step %scan3A_6  : i32 {
      "tpu.region"() ({
        %run_scoped3A = tpu.sem_alloc : memref<!tpu.dma_semaphore, #tpu.memory_space<semaphore_mem>>
        %dma_start3A = arith.constant 0 : i32
        %dma_start3A_10 = tpu.memref_slice %arg6[%scan3A_9, %dma_start3A] : memref<80x128xi32, #tpu.memory_space<vmem>> -> memref<1x128xi32, #tpu.memory_space<vmem>>
        %dma_start3A_11 = tpu.memref_squeeze %dma_start3A_10 : memref<1x128xi32, #tpu.memory_space<vmem>> -> memref<128xi32, #tpu.memory_space<vmem>>
        %dma_start3A_12 = arith.constant 0 : i32
        %dma_start3A_13 = arith.constant 0 : i32
        %dma_start3A_14 = tpu.memref_slice %arg8[%dma_start3A_12, %dma_start3A_13] : memref<10112x16xf32, #tpu.memory_space<vmem_shared>> -> memref<10112x16xf32, #tpu.memory_space<vmem_shared>>
        tpu.enqueue_indirect_dma source(%arg7 : memref<128x16xf32, #tpu.memory_space<vmem>>) target(%dma_start3A_14 : memref<10112x16xf32, #tpu.memory_space<vmem_shared>>) offsets(%dma_start3A_11 : memref<128xi32, #tpu.memory_space<vmem>>) semaphore(%run_scoped3A : memref<!tpu.dma_semaphore, #tpu.memory_space<semaphore_mem>>) {add = true}
        %dma_wait3A = arith.constant 0 : i32
        %dma_wait3A_15 = tpu.memref_slice %arg6[%scan3A_9, %dma_wait3A] : memref<80x128xi32, #tpu.memory_space<vmem>> -> memref<1x128xi32, #tpu.memory_space<vmem>>
        %dma_wait3A_16 = tpu.memref_squeeze %dma_wait3A_15 : memref<1x128xi32, #tpu.memory_space<vmem>> -> memref<128xi32, #tpu.memory_space<vmem>>
        %dma_wait3A_17 = arith.constant 0 : i32
        %dma_wait3A_18 = arith.constant 0 : i32
        %dma_wait3A_19 = tpu.memref_slice %arg8[%dma_wait3A_17, %dma_wait3A_18] : memref<10112x16xf32, #tpu.memory_space<vmem_shared>> -> memref<10112x16xf32, #tpu.memory_space<vmem_shared>>
        tpu.wait_indirect_dma semaphore(%run_scoped3A : memref<!tpu.dma_semaphore, #tpu.memory_space<semaphore_mem>>) src(%arg7 : memref<128x16xf32, #tpu.memory_space<vmem>>) dst(%dma_wait3A_19 : memref<10112x16xf32, #tpu.memory_space<vmem_shared>>)
        tpu.yield
      }) : () -> ()
    }
    %scan3A_7 = arith.constant 80 : i32
    %barrier3A_8 = arith.constant 0 : index
    tpu.barrier barrier_id(%barrier3A_8)
    "tpu.region"() ({
      %run_scoped3A = tpu.sem_alloc : memref<!tpu.dma_semaphore, #tpu.memory_space<semaphore_mem>>
      %dma_start3A = arith.constant 0 : i32
      %dma_start3A_9 = tpu.memref_slice %arg5[%arg0, %mul3A_2, %dma_start3A] : memref<2x10112x16xf32, #tpu.memory_space<hbm>> -> memref<1x632x16xf32, #tpu.memory_space<hbm>>
      %dma_start3A_10 = tpu.memref_squeeze %dma_start3A_9 : memref<1x632x16xf32, #tpu.memory_space<hbm>> -> memref<632x16xf32, #tpu.memory_space<hbm>>
      %dma_start3A_11 = arith.constant 0 : i32
      %dma_start3A_12 = tpu.memref_slice %arg8[%mul3A_2, %dma_start3A_11] : memref<10112x16xf32, #tpu.memory_space<vmem_shared>> -> memref<632x16xf32, #tpu.memory_space<vmem_shared>>
      tpu.enqueue_dma source(%dma_start3A_12 : memref<632x16xf32, #tpu.memory_space<vmem_shared>>) target(%dma_start3A_10 : memref<632x16xf32, #tpu.memory_space<hbm>>) target_semaphore(%run_scoped3A : memref<!tpu.dma_semaphore, #tpu.memory_space<semaphore_mem>>)
      %dma_wait3A = arith.constant 0 : i32
      %dma_wait3A_13 = tpu.memref_slice %arg5[%arg0, %mul3A_2, %dma_wait3A] : memref<2x10112x16xf32, #tpu.memory_space<hbm>> -> memref<1x632x16xf32, #tpu.memory_space<hbm>>
      %dma_wait3A_14 = tpu.memref_squeeze %dma_wait3A_13 : memref<1x632x16xf32, #tpu.memory_space<hbm>> -> memref<632x16xf32, #tpu.memory_space<hbm>>
      %dma_wait3A_15 = arith.constant 0 : i32
      %dma_wait3A_16 = tpu.memref_slice %arg8[%mul3A_2, %dma_wait3A_15] : memref<10112x16xf32, #tpu.memory_space<vmem_shared>> -> memref<632x16xf32, #tpu.memory_space<vmem_shared>>
      tpu.wait_dma2 semaphore(%run_scoped3A : memref<!tpu.dma_semaphore, #tpu.memory_space<semaphore_mem>>) src(%dma_wait3A_16 : memref<632x16xf32, #tpu.memory_space<vmem_shared>>) dst(%dma_wait3A_14 : memref<632x16xf32, #tpu.memory_space<hbm>>)
      tpu.yield
    }) : () -> ()
    return
  }
}

#map = affine_map<(d0, d1) -> (0, 0, 0)>
#map1 = affine_map<(d0, d1) -> (0, 0)>
module attributes {stable_mosaic.version = 14 : i64} {
  func.func @_sc_scatter(%arg0: i32, %arg1: i32, %arg2: memref<32x80x128xi32, #tpu.memory_space<hbm>>, %arg3: memref<32x80x128xi32, #tpu.memory_space<hbm>>, %arg4: memref<10112x16xf32, #tpu.memory_space<hbm>>, %arg5: memref<10112x16xf32, #tpu.memory_space<hbm>>, %arg6: memref<2x10112x16xf32, #tpu.memory_space<hbm>>, %arg7: memref<80x128xi32, #tpu.memory_space<vmem>>, %arg8: memref<80x128xi32, #tpu.memory_space<vmem>>, %arg9: memref<128x16xf32, #tpu.memory_space<vmem>>, %arg10: memref<128x16xf32, #tpu.memory_space<vmem>>, %arg11: memref<10112x16xf32, #tpu.memory_space<vmem_shared>>, %arg12: memref<10112x16xf32, #tpu.memory_space<vmem_shared>>, %arg13: memref<!tpu.dma_semaphore, #tpu.memory_space<semaphore_mem>>, %arg14: memref<!tpu.dma_semaphore, #tpu.memory_space<semaphore_mem>>) attributes {dimension_semantics = [#tpu.dimension_semantics<core_parallel>, #tpu.dimension_semantics<subcore_parallel>], iteration_bounds = array<i64: 2, 16>, scalar_prefetch = 0 : i64, scratch_operands = 8 : i64, tpu.core_type = #tpu.core_type<sc_vector_subcore>, window_params = [{transform_indices = #map}, {transform_indices = #map}, {transform_indices = #map1}, {transform_indices = #map1}, {transform_indices = #map}]} {
    %mul3A = arith.constant 2 : i32
    %mul3A_0 = arith.muli %arg1, %mul3A : i32
    %add3A = arith.addi %mul3A_0, %arg0 : i32
    %mul3A_1 = arith.constant 632 : i32
    %mul3A_2 = arith.muli %arg1, %mul3A_1 : i32
    "tpu.region"() ({
      %run_scoped3A = tpu.sem_alloc : memref<!tpu.dma_semaphore, #tpu.memory_space<semaphore_mem>>
      %dma_start3A_15 = arith.constant 0 : i32
      %dma_start3A_16 = tpu.memref_slice %arg12[%mul3A_2, %dma_start3A_15] : memref<10112x16xf32, #tpu.memory_space<vmem_shared>> -> memref<632x16xf32, #tpu.memory_space<vmem_shared>>
      %dma_start3A_17 = arith.constant 0 : i32
      %dma_start3A_18 = tpu.memref_slice %arg5[%mul3A_2, %dma_start3A_17] : memref<10112x16xf32, #tpu.memory_space<hbm>> -> memref<632x16xf32, #tpu.memory_space<hbm>>
      tpu.enqueue_dma source(%dma_start3A_18 : memref<632x16xf32, #tpu.memory_space<hbm>>) target(%dma_start3A_16 : memref<632x16xf32, #tpu.memory_space<vmem_shared>>) target_semaphore(%run_scoped3A : memref<!tpu.dma_semaphore, #tpu.memory_space<semaphore_mem>>)
      %dma_wait3A = arith.constant 0 : i32
      %dma_wait3A_19 = tpu.memref_slice %arg12[%mul3A_2, %dma_wait3A] : memref<10112x16xf32, #tpu.memory_space<vmem_shared>> -> memref<632x16xf32, #tpu.memory_space<vmem_shared>>
      %dma_wait3A_20 = arith.constant 0 : i32
      %dma_wait3A_21 = tpu.memref_slice %arg5[%mul3A_2, %dma_wait3A_20] : memref<10112x16xf32, #tpu.memory_space<hbm>> -> memref<632x16xf32, #tpu.memory_space<hbm>>
      tpu.wait_dma2 semaphore(%run_scoped3A : memref<!tpu.dma_semaphore, #tpu.memory_space<semaphore_mem>>) src(%dma_wait3A_21 : memref<632x16xf32, #tpu.memory_space<hbm>>) dst(%dma_wait3A_19 : memref<632x16xf32, #tpu.memory_space<vmem_shared>>)
      tpu.yield
    }) : () -> ()
    "tpu.region"() ({
      %run_scoped3A = tpu.sem_alloc : memref<!tpu.dma_semaphore, #tpu.memory_space<semaphore_mem>>
      %dma_start3A_15 = arith.constant 0 : i32
      %dma_start3A_16 = tpu.memref_slice %arg11[%mul3A_2, %dma_start3A_15] : memref<10112x16xf32, #tpu.memory_space<vmem_shared>> -> memref<632x16xf32, #tpu.memory_space<vmem_shared>>
      %dma_start3A_17 = arith.constant 0 : i32
      %dma_start3A_18 = tpu.memref_slice %arg4[%mul3A_2, %dma_start3A_17] : memref<10112x16xf32, #tpu.memory_space<hbm>> -> memref<632x16xf32, #tpu.memory_space<hbm>>
      tpu.enqueue_dma source(%dma_start3A_18 : memref<632x16xf32, #tpu.memory_space<hbm>>) target(%dma_start3A_16 : memref<632x16xf32, #tpu.memory_space<vmem_shared>>) target_semaphore(%run_scoped3A : memref<!tpu.dma_semaphore, #tpu.memory_space<semaphore_mem>>)
      %dma_wait3A = arith.constant 0 : i32
      %dma_wait3A_19 = tpu.memref_slice %arg11[%mul3A_2, %dma_wait3A] : memref<10112x16xf32, #tpu.memory_space<vmem_shared>> -> memref<632x16xf32, #tpu.memory_space<vmem_shared>>
      %dma_wait3A_20 = arith.constant 0 : i32
      %dma_wait3A_21 = tpu.memref_slice %arg4[%mul3A_2, %dma_wait3A_20] : memref<10112x16xf32, #tpu.memory_space<hbm>> -> memref<632x16xf32, #tpu.memory_space<hbm>>
      tpu.wait_dma2 semaphore(%run_scoped3A : memref<!tpu.dma_semaphore, #tpu.memory_space<semaphore_mem>>) src(%dma_wait3A_21 : memref<632x16xf32, #tpu.memory_space<hbm>>) dst(%dma_wait3A_19 : memref<632x16xf32, #tpu.memory_space<vmem_shared>>)
      tpu.yield
    }) : () -> ()
    "tpu.region"() ({
      %run_scoped3A = tpu.sem_alloc : memref<!tpu.dma_semaphore, #tpu.memory_space<semaphore_mem>>
      %dma_start3A_15 = arith.constant 0 : i32
      %dma_start3A_16 = arith.constant 0 : i32
      %dma_start3A_17 = tpu.memref_slice %arg2[%add3A, %dma_start3A_15, %dma_start3A_16] : memref<32x80x128xi32, #tpu.memory_space<hbm>> -> memref<1x80x128xi32, #tpu.memory_space<hbm>>
      %dma_start3A_18 = tpu.memref_squeeze %dma_start3A_17 : memref<1x80x128xi32, #tpu.memory_space<hbm>> -> memref<80x128xi32, #tpu.memory_space<hbm>>
      %dma_start3A_19 = arith.constant 0 : i32
      %dma_start3A_20 = arith.constant 0 : i32
      %dma_start3A_21 = tpu.memref_slice %arg2[%add3A, %dma_start3A_19, %dma_start3A_20] : memref<32x80x128xi32, #tpu.memory_space<hbm>> -> memref<1x80x128xi32, #tpu.memory_space<hbm>>
      %dma_start3A_22 = tpu.memref_squeeze %dma_start3A_21 : memref<1x80x128xi32, #tpu.memory_space<hbm>> -> memref<80x128xi32, #tpu.memory_space<hbm>>
      tpu.enqueue_dma source(%dma_start3A_22 : memref<80x128xi32, #tpu.memory_space<hbm>>) target(%arg7 : memref<80x128xi32, #tpu.memory_space<vmem>>) target_semaphore(%run_scoped3A : memref<!tpu.dma_semaphore, #tpu.memory_space<semaphore_mem>>)
      %dma_wait3A = arith.constant 0 : i32
      %dma_wait3A_23 = arith.constant 0 : i32
      %dma_wait3A_24 = tpu.memref_slice %arg2[%add3A, %dma_wait3A, %dma_wait3A_23] : memref<32x80x128xi32, #tpu.memory_space<hbm>> -> memref<1x80x128xi32, #tpu.memory_space<hbm>>
      %dma_wait3A_25 = tpu.memref_squeeze %dma_wait3A_24 : memref<1x80x128xi32, #tpu.memory_space<hbm>> -> memref<80x128xi32, #tpu.memory_space<hbm>>
      %dma_wait3A_26 = arith.constant 0 : i32
      %dma_wait3A_27 = arith.constant 0 : i32
      %dma_wait3A_28 = tpu.memref_slice %arg2[%add3A, %dma_wait3A_26, %dma_wait3A_27] : memref<32x80x128xi32, #tpu.memory_space<hbm>> -> memref<1x80x128xi32, #tpu.memory_space<hbm>>
      %dma_wait3A_29 = tpu.memref_squeeze %dma_wait3A_28 : memref<1x80x128xi32, #tpu.memory_space<hbm>> -> memref<80x128xi32, #tpu.memory_space<hbm>>
      tpu.wait_dma2 semaphore(%run_scoped3A : memref<!tpu.dma_semaphore, #tpu.memory_space<semaphore_mem>>) src(%dma_wait3A_29 : memref<80x128xi32, #tpu.memory_space<hbm>>) dst(%arg7 : memref<80x128xi32, #tpu.memory_space<vmem>>)
      tpu.yield
    }) : () -> ()
    "tpu.region"() ({
      %run_scoped3A = tpu.sem_alloc : memref<!tpu.dma_semaphore, #tpu.memory_space<semaphore_mem>>
      %dma_start3A_15 = arith.constant 0 : i32
      %dma_start3A_16 = arith.constant 0 : i32
      %dma_start3A_17 = tpu.memref_slice %arg3[%add3A, %dma_start3A_15, %dma_start3A_16] : memref<32x80x128xi32, #tpu.memory_space<hbm>> -> memref<1x80x128xi32, #tpu.memory_space<hbm>>
      %dma_start3A_18 = tpu.memref_squeeze %dma_start3A_17 : memref<1x80x128xi32, #tpu.memory_space<hbm>> -> memref<80x128xi32, #tpu.memory_space<hbm>>
      %dma_start3A_19 = arith.constant 0 : i32
      %dma_start3A_20 = arith.constant 0 : i32
      %dma_start3A_21 = tpu.memref_slice %arg3[%add3A, %dma_start3A_19, %dma_start3A_20] : memref<32x80x128xi32, #tpu.memory_space<hbm>> -> memref<1x80x128xi32, #tpu.memory_space<hbm>>
      %dma_start3A_22 = tpu.memref_squeeze %dma_start3A_21 : memref<1x80x128xi32, #tpu.memory_space<hbm>> -> memref<80x128xi32, #tpu.memory_space<hbm>>
      tpu.enqueue_dma source(%dma_start3A_22 : memref<80x128xi32, #tpu.memory_space<hbm>>) target(%arg8 : memref<80x128xi32, #tpu.memory_space<vmem>>) target_semaphore(%run_scoped3A : memref<!tpu.dma_semaphore, #tpu.memory_space<semaphore_mem>>)
      %dma_wait3A = arith.constant 0 : i32
      %dma_wait3A_23 = arith.constant 0 : i32
      %dma_wait3A_24 = tpu.memref_slice %arg3[%add3A, %dma_wait3A, %dma_wait3A_23] : memref<32x80x128xi32, #tpu.memory_space<hbm>> -> memref<1x80x128xi32, #tpu.memory_space<hbm>>
      %dma_wait3A_25 = tpu.memref_squeeze %dma_wait3A_24 : memref<1x80x128xi32, #tpu.memory_space<hbm>> -> memref<80x128xi32, #tpu.memory_space<hbm>>
      %dma_wait3A_26 = arith.constant 0 : i32
      %dma_wait3A_27 = arith.constant 0 : i32
      %dma_wait3A_28 = tpu.memref_slice %arg3[%add3A, %dma_wait3A_26, %dma_wait3A_27] : memref<32x80x128xi32, #tpu.memory_space<hbm>> -> memref<1x80x128xi32, #tpu.memory_space<hbm>>
      %dma_wait3A_29 = tpu.memref_squeeze %dma_wait3A_28 : memref<1x80x128xi32, #tpu.memory_space<hbm>> -> memref<80x128xi32, #tpu.memory_space<hbm>>
      tpu.wait_dma2 semaphore(%run_scoped3A : memref<!tpu.dma_semaphore, #tpu.memory_space<semaphore_mem>>) src(%dma_wait3A_29 : memref<80x128xi32, #tpu.memory_space<hbm>>) dst(%arg8 : memref<80x128xi32, #tpu.memory_space<vmem>>)
      tpu.yield
    }) : () -> ()
    %barrier3A = arith.constant 0 : index
    tpu.barrier barrier_id(%barrier3A)
    %dma_start3A = arith.constant 0 : i32
    %dma_start3A_3 = arith.constant 0 : i32
    %dma_start3A_4 = tpu.memref_slice %arg7[%dma_start3A, %dma_start3A_3] : memref<80x128xi32, #tpu.memory_space<vmem>> -> memref<1x128xi32, #tpu.memory_space<vmem>>
    %dma_start3A_5 = tpu.memref_squeeze %dma_start3A_4 : memref<1x128xi32, #tpu.memory_space<vmem>> -> memref<128xi32, #tpu.memory_space<vmem>>
    %dma_start3A_6 = arith.constant 0 : i32
    %dma_start3A_7 = arith.constant 0 : i32
    %dma_start3A_8 = tpu.memref_slice %arg11[%dma_start3A_6, %dma_start3A_7] : memref<10112x16xf32, #tpu.memory_space<vmem_shared>> -> memref<10112x16xf32, #tpu.memory_space<vmem_shared>>
    tpu.enqueue_indirect_dma source(%dma_start3A_8 : memref<10112x16xf32, #tpu.memory_space<vmem_shared>>) target(%arg9 : memref<128x16xf32, #tpu.memory_space<vmem>>) offsets(%dma_start3A_5 : memref<128xi32, #tpu.memory_space<vmem>>) semaphore(%arg13 : memref<!tpu.dma_semaphore, #tpu.memory_space<semaphore_mem>>)
    %scan3A = arith.constant 0 : i32
    %scan3A_9 = arith.constant 0 : i32
    %scan3A_10 = arith.constant 40 : i32
    %scan3A_11 = arith.addi %scan3A_9, %scan3A_10 : i32
    %scan3A_12 = arith.constant 1 : i32
    scf.for %scan3A_15 = %scan3A_9 to %scan3A_11 step %scan3A_12  : i32 {
      %mul3A_16 = arith.constant 2 : i32
      %mul3A_17 = arith.muli %mul3A_16, %scan3A_15 : i32
      %add3A_18 = arith.constant 1 : i32
      %add3A_19 = arith.addi %mul3A_17, %add3A_18 : i32
      %dma_start3A_20 = arith.constant 0 : i32
      %dma_start3A_21 = tpu.memref_slice %arg7[%add3A_19, %dma_start3A_20] : memref<80x128xi32, #tpu.memory_space<vmem>> -> memref<1x128xi32, #tpu.memory_space<vmem>>
      %dma_start3A_22 = tpu.memref_squeeze %dma_start3A_21 : memref<1x128xi32, #tpu.memory_space<vmem>> -> memref<128xi32, #tpu.memory_space<vmem>>
      %dma_start3A_23 = arith.constant 0 : i32
      %dma_start3A_24 = arith.constant 0 : i32
      %dma_start3A_25 = tpu.memref_slice %arg11[%dma_start3A_23, %dma_start3A_24] : memref<10112x16xf32, #tpu.memory_space<vmem_shared>> -> memref<10112x16xf32, #tpu.memory_space<vmem_shared>>
      tpu.enqueue_indirect_dma source(%dma_start3A_25 : memref<10112x16xf32, #tpu.memory_space<vmem_shared>>) target(%arg10 : memref<128x16xf32, #tpu.memory_space<vmem>>) offsets(%dma_start3A_22 : memref<128xi32, #tpu.memory_space<vmem>>) semaphore(%arg14 : memref<!tpu.dma_semaphore, #tpu.memory_space<semaphore_mem>>)
      %dma_wait3A = arith.constant 0 : i32
      %dma_wait3A_26 = tpu.memref_slice %arg7[%mul3A_17, %dma_wait3A] : memref<80x128xi32, #tpu.memory_space<vmem>> -> memref<1x128xi32, #tpu.memory_space<vmem>>
      %dma_wait3A_27 = tpu.memref_squeeze %dma_wait3A_26 : memref<1x128xi32, #tpu.memory_space<vmem>> -> memref<128xi32, #tpu.memory_space<vmem>>
      %dma_wait3A_28 = arith.constant 0 : i32
      %dma_wait3A_29 = arith.constant 0 : i32
      %dma_wait3A_30 = tpu.memref_slice %arg11[%dma_wait3A_28, %dma_wait3A_29] : memref<10112x16xf32, #tpu.memory_space<vmem_shared>> -> memref<10112x16xf32, #tpu.memory_space<vmem_shared>>
      tpu.wait_indirect_dma semaphore(%arg13 : memref<!tpu.dma_semaphore, #tpu.memory_space<semaphore_mem>>) src(%dma_wait3A_30 : memref<10112x16xf32, #tpu.memory_space<vmem_shared>>) dst(%arg9 : memref<128x16xf32, #tpu.memory_space<vmem>>)
      "tpu.region"() ({
        %run_scoped3A = tpu.sem_alloc : memref<!tpu.dma_semaphore, #tpu.memory_space<semaphore_mem>>
        %dma_start3A_45 = arith.constant 0 : i32
        %dma_start3A_46 = tpu.memref_slice %arg8[%mul3A_17, %dma_start3A_45] : memref<80x128xi32, #tpu.memory_space<vmem>> -> memref<1x128xi32, #tpu.memory_space<vmem>>
        %dma_start3A_47 = tpu.memref_squeeze %dma_start3A_46 : memref<1x128xi32, #tpu.memory_space<vmem>> -> memref<128xi32, #tpu.memory_space<vmem>>
        %dma_start3A_48 = arith.constant 0 : i32
        %dma_start3A_49 = arith.constant 0 : i32
        %dma_start3A_50 = tpu.memref_slice %arg12[%dma_start3A_48, %dma_start3A_49] : memref<10112x16xf32, #tpu.memory_space<vmem_shared>> -> memref<10112x16xf32, #tpu.memory_space<vmem_shared>>
        tpu.enqueue_indirect_dma source(%arg9 : memref<128x16xf32, #tpu.memory_space<vmem>>) target(%dma_start3A_50 : memref<10112x16xf32, #tpu.memory_space<vmem_shared>>) offsets(%dma_start3A_47 : memref<128xi32, #tpu.memory_space<vmem>>) semaphore(%run_scoped3A : memref<!tpu.dma_semaphore, #tpu.memory_space<semaphore_mem>>) {add = true}
        %dma_wait3A_51 = arith.constant 0 : i32
        %dma_wait3A_52 = tpu.memref_slice %arg8[%mul3A_17, %dma_wait3A_51] : memref<80x128xi32, #tpu.memory_space<vmem>> -> memref<1x128xi32, #tpu.memory_space<vmem>>
        %dma_wait3A_53 = tpu.memref_squeeze %dma_wait3A_52 : memref<1x128xi32, #tpu.memory_space<vmem>> -> memref<128xi32, #tpu.memory_space<vmem>>
        %dma_wait3A_54 = arith.constant 0 : i32
        %dma_wait3A_55 = arith.constant 0 : i32
        %dma_wait3A_56 = tpu.memref_slice %arg12[%dma_wait3A_54, %dma_wait3A_55] : memref<10112x16xf32, #tpu.memory_space<vmem_shared>> -> memref<10112x16xf32, #tpu.memory_space<vmem_shared>>
        tpu.wait_indirect_dma semaphore(%run_scoped3A : memref<!tpu.dma_semaphore, #tpu.memory_space<semaphore_mem>>) src(%arg9 : memref<128x16xf32, #tpu.memory_space<vmem>>) dst(%dma_wait3A_56 : memref<10112x16xf32, #tpu.memory_space<vmem_shared>>)
        tpu.yield
      }) : () -> ()
      %add3A_31 = arith.constant 2 : i32
      %add3A_32 = arith.addi %mul3A_17, %add3A_31 : i32
      %lt3A = arith.constant 80 : i32
      %lt3A_33 = arith.cmpi slt, %add3A_32, %lt3A : i32
      %convert_element_type3A = arith.extui %lt3A_33 : i1 to i32
      %cond3A = arith.constant 0 : i32
      %cond3A_34 = arith.cmpi ne, %convert_element_type3A, %cond3A : i32
      scf.if %cond3A_34 {
        %add3A_45 = arith.constant 2 : i32
        %add3A_46 = arith.addi %mul3A_17, %add3A_45 : i32
        %dma_start3A_47 = arith.constant 0 : i32
        %dma_start3A_48 = tpu.memref_slice %arg7[%add3A_46, %dma_start3A_47] : memref<80x128xi32, #tpu.memory_space<vmem>> -> memref<1x128xi32, #tpu.memory_space<vmem>>
        %dma_start3A_49 = tpu.memref_squeeze %dma_start3A_48 : memref<1x128xi32, #tpu.memory_space<vmem>> -> memref<128xi32, #tpu.memory_space<vmem>>
        %dma_start3A_50 = arith.constant 0 : i32
        %dma_start3A_51 = arith.constant 0 : i32
        %dma_start3A_52 = tpu.memref_slice %arg11[%dma_start3A_50, %dma_start3A_51] : memref<10112x16xf32, #tpu.memory_space<vmem_shared>> -> memref<10112x16xf32, #tpu.memory_space<vmem_shared>>
        tpu.enqueue_indirect_dma source(%dma_start3A_52 : memref<10112x16xf32, #tpu.memory_space<vmem_shared>>) target(%arg9 : memref<128x16xf32, #tpu.memory_space<vmem>>) offsets(%dma_start3A_49 : memref<128xi32, #tpu.memory_space<vmem>>) semaphore(%arg13 : memref<!tpu.dma_semaphore, #tpu.memory_space<semaphore_mem>>)
      } else {
      }
      %add3A_35 = arith.constant 1 : i32
      %add3A_36 = arith.addi %mul3A_17, %add3A_35 : i32
      %dma_wait3A_37 = arith.constant 0 : i32
      %dma_wait3A_38 = tpu.memref_slice %arg7[%add3A_36, %dma_wait3A_37] : memref<80x128xi32, #tpu.memory_space<vmem>> -> memref<1x128xi32, #tpu.memory_space<vmem>>
      %dma_wait3A_39 = tpu.memref_squeeze %dma_wait3A_38 : memref<1x128xi32, #tpu.memory_space<vmem>> -> memref<128xi32, #tpu.memory_space<vmem>>
      %dma_wait3A_40 = arith.constant 0 : i32
      %dma_wait3A_41 = arith.constant 0 : i32
      %dma_wait3A_42 = tpu.memref_slice %arg11[%dma_wait3A_40, %dma_wait3A_41] : memref<10112x16xf32, #tpu.memory_space<vmem_shared>> -> memref<10112x16xf32, #tpu.memory_space<vmem_shared>>
      tpu.wait_indirect_dma semaphore(%arg14 : memref<!tpu.dma_semaphore, #tpu.memory_space<semaphore_mem>>) src(%dma_wait3A_42 : memref<10112x16xf32, #tpu.memory_space<vmem_shared>>) dst(%arg10 : memref<128x16xf32, #tpu.memory_space<vmem>>)
      %add3A_43 = arith.constant 1 : i32
      %add3A_44 = arith.addi %mul3A_17, %add3A_43 : i32
      "tpu.region"() ({
        %run_scoped3A = tpu.sem_alloc : memref<!tpu.dma_semaphore, #tpu.memory_space<semaphore_mem>>
        %dma_start3A_45 = arith.constant 0 : i32
        %dma_start3A_46 = tpu.memref_slice %arg8[%add3A_44, %dma_start3A_45] : memref<80x128xi32, #tpu.memory_space<vmem>> -> memref<1x128xi32, #tpu.memory_space<vmem>>
        %dma_start3A_47 = tpu.memref_squeeze %dma_start3A_46 : memref<1x128xi32, #tpu.memory_space<vmem>> -> memref<128xi32, #tpu.memory_space<vmem>>
        %dma_start3A_48 = arith.constant 0 : i32
        %dma_start3A_49 = arith.constant 0 : i32
        %dma_start3A_50 = tpu.memref_slice %arg12[%dma_start3A_48, %dma_start3A_49] : memref<10112x16xf32, #tpu.memory_space<vmem_shared>> -> memref<10112x16xf32, #tpu.memory_space<vmem_shared>>
        tpu.enqueue_indirect_dma source(%arg10 : memref<128x16xf32, #tpu.memory_space<vmem>>) target(%dma_start3A_50 : memref<10112x16xf32, #tpu.memory_space<vmem_shared>>) offsets(%dma_start3A_47 : memref<128xi32, #tpu.memory_space<vmem>>) semaphore(%run_scoped3A : memref<!tpu.dma_semaphore, #tpu.memory_space<semaphore_mem>>) {add = true}
        %dma_wait3A_51 = arith.constant 0 : i32
        %dma_wait3A_52 = tpu.memref_slice %arg8[%add3A_44, %dma_wait3A_51] : memref<80x128xi32, #tpu.memory_space<vmem>> -> memref<1x128xi32, #tpu.memory_space<vmem>>
        %dma_wait3A_53 = tpu.memref_squeeze %dma_wait3A_52 : memref<1x128xi32, #tpu.memory_space<vmem>> -> memref<128xi32, #tpu.memory_space<vmem>>
        %dma_wait3A_54 = arith.constant 0 : i32
        %dma_wait3A_55 = arith.constant 0 : i32
        %dma_wait3A_56 = tpu.memref_slice %arg12[%dma_wait3A_54, %dma_wait3A_55] : memref<10112x16xf32, #tpu.memory_space<vmem_shared>> -> memref<10112x16xf32, #tpu.memory_space<vmem_shared>>
        tpu.wait_indirect_dma semaphore(%run_scoped3A : memref<!tpu.dma_semaphore, #tpu.memory_space<semaphore_mem>>) src(%arg10 : memref<128x16xf32, #tpu.memory_space<vmem>>) dst(%dma_wait3A_56 : memref<10112x16xf32, #tpu.memory_space<vmem_shared>>)
        tpu.yield
      }) : () -> ()
    }
    %scan3A_13 = arith.constant 40 : i32
    %barrier3A_14 = arith.constant 0 : index
    tpu.barrier barrier_id(%barrier3A_14)
    "tpu.region"() ({
      %run_scoped3A = tpu.sem_alloc : memref<!tpu.dma_semaphore, #tpu.memory_space<semaphore_mem>>
      %dma_start3A_15 = arith.constant 0 : i32
      %dma_start3A_16 = tpu.memref_slice %arg6[%arg0, %mul3A_2, %dma_start3A_15] : memref<2x10112x16xf32, #tpu.memory_space<hbm>> -> memref<1x632x16xf32, #tpu.memory_space<hbm>>
      %dma_start3A_17 = tpu.memref_squeeze %dma_start3A_16 : memref<1x632x16xf32, #tpu.memory_space<hbm>> -> memref<632x16xf32, #tpu.memory_space<hbm>>
      %dma_start3A_18 = arith.constant 0 : i32
      %dma_start3A_19 = tpu.memref_slice %arg12[%mul3A_2, %dma_start3A_18] : memref<10112x16xf32, #tpu.memory_space<vmem_shared>> -> memref<632x16xf32, #tpu.memory_space<vmem_shared>>
      tpu.enqueue_dma source(%dma_start3A_19 : memref<632x16xf32, #tpu.memory_space<vmem_shared>>) target(%dma_start3A_17 : memref<632x16xf32, #tpu.memory_space<hbm>>) target_semaphore(%run_scoped3A : memref<!tpu.dma_semaphore, #tpu.memory_space<semaphore_mem>>)
      %dma_wait3A = arith.constant 0 : i32
      %dma_wait3A_20 = tpu.memref_slice %arg6[%arg0, %mul3A_2, %dma_wait3A] : memref<2x10112x16xf32, #tpu.memory_space<hbm>> -> memref<1x632x16xf32, #tpu.memory_space<hbm>>
      %dma_wait3A_21 = tpu.memref_squeeze %dma_wait3A_20 : memref<1x632x16xf32, #tpu.memory_space<hbm>> -> memref<632x16xf32, #tpu.memory_space<hbm>>
      %dma_wait3A_22 = arith.constant 0 : i32
      %dma_wait3A_23 = tpu.memref_slice %arg12[%mul3A_2, %dma_wait3A_22] : memref<10112x16xf32, #tpu.memory_space<vmem_shared>> -> memref<632x16xf32, #tpu.memory_space<vmem_shared>>
      tpu.wait_dma2 semaphore(%run_scoped3A : memref<!tpu.dma_semaphore, #tpu.memory_space<semaphore_mem>>) src(%dma_wait3A_23 : memref<632x16xf32, #tpu.memory_space<vmem_shared>>) dst(%dma_wait3A_21 : memref<632x16xf32, #tpu.memory_space<hbm>>)
      tpu.yield
    }) : () -> ()
    return
  }
}

#map = affine_map<(d0, d1) -> (0, 0, 0)>
#map1 = affine_map<(d0, d1) -> (0, 0)>
module attributes {stable_mosaic.version = 14 : i64} {
  func.func @_sc_scatter(%arg0: i32, %arg1: i32, %arg2: memref<32x80x128xi32, #tpu.memory_space<hbm>>, %arg3: memref<32x80x128xi32, #tpu.memory_space<hbm>>, %arg4: memref<10112x16xf32, #tpu.memory_space<hbm>>, %arg5: memref<10112x16xf32, #tpu.memory_space<hbm>>, %arg6: memref<2x10112x16xf32, #tpu.memory_space<hbm>>, %arg7: memref<80x128xi32, #tpu.memory_space<vmem>>, %arg8: memref<80x128xi32, #tpu.memory_space<vmem>>, %arg9: memref<128x16xf32, #tpu.memory_space<vmem>>, %arg10: memref<128x16xf32, #tpu.memory_space<vmem>>, %arg11: memref<10112x16xf32, #tpu.memory_space<vmem_shared>>, %arg12: memref<10112x16xf32, #tpu.memory_space<vmem_shared>>, %arg13: memref<!tpu.dma_semaphore, #tpu.memory_space<semaphore_mem>>, %arg14: memref<!tpu.dma_semaphore, #tpu.memory_space<semaphore_mem>>) attributes {dimension_semantics = [#tpu.dimension_semantics<core_parallel>, #tpu.dimension_semantics<subcore_parallel>], iteration_bounds = array<i64: 2, 16>, scalar_prefetch = 0 : i64, scratch_operands = 8 : i64, tpu.core_type = #tpu.core_type<sc_vector_subcore>, window_params = [{transform_indices = #map}, {transform_indices = #map}, {transform_indices = #map1}, {transform_indices = #map1}, {transform_indices = #map}]} {
    %mul3A = arith.constant 2 : i32
    %mul3A_0 = arith.muli %arg1, %mul3A : i32
    %add3A = arith.addi %mul3A_0, %arg0 : i32
    %mul3A_1 = arith.constant 632 : i32
    %mul3A_2 = arith.muli %arg1, %mul3A_1 : i32
    "tpu.region"() ({
      %run_scoped3A = tpu.sem_alloc : memref<!tpu.dma_semaphore, #tpu.memory_space<semaphore_mem>>
      %dma_start3A_15 = arith.constant 0 : i32
      %dma_start3A_16 = tpu.memref_slice %arg12[%mul3A_2, %dma_start3A_15] : memref<10112x16xf32, #tpu.memory_space<vmem_shared>> -> memref<632x16xf32, #tpu.memory_space<vmem_shared>>
      %dma_start3A_17 = arith.constant 0 : i32
      %dma_start3A_18 = tpu.memref_slice %arg5[%mul3A_2, %dma_start3A_17] : memref<10112x16xf32, #tpu.memory_space<hbm>> -> memref<632x16xf32, #tpu.memory_space<hbm>>
      tpu.enqueue_dma source(%dma_start3A_18 : memref<632x16xf32, #tpu.memory_space<hbm>>) target(%dma_start3A_16 : memref<632x16xf32, #tpu.memory_space<vmem_shared>>) target_semaphore(%run_scoped3A : memref<!tpu.dma_semaphore, #tpu.memory_space<semaphore_mem>>)
      %dma_wait3A = arith.constant 0 : i32
      %dma_wait3A_19 = tpu.memref_slice %arg12[%mul3A_2, %dma_wait3A] : memref<10112x16xf32, #tpu.memory_space<vmem_shared>> -> memref<632x16xf32, #tpu.memory_space<vmem_shared>>
      %dma_wait3A_20 = arith.constant 0 : i32
      %dma_wait3A_21 = tpu.memref_slice %arg5[%mul3A_2, %dma_wait3A_20] : memref<10112x16xf32, #tpu.memory_space<hbm>> -> memref<632x16xf32, #tpu.memory_space<hbm>>
      tpu.wait_dma2 semaphore(%run_scoped3A : memref<!tpu.dma_semaphore, #tpu.memory_space<semaphore_mem>>) src(%dma_wait3A_21 : memref<632x16xf32, #tpu.memory_space<hbm>>) dst(%dma_wait3A_19 : memref<632x16xf32, #tpu.memory_space<vmem_shared>>)
      tpu.yield
    }) : () -> ()
    "tpu.region"() ({
      %run_scoped3A = tpu.sem_alloc : memref<!tpu.dma_semaphore, #tpu.memory_space<semaphore_mem>>
      %dma_start3A_15 = arith.constant 0 : i32
      %dma_start3A_16 = tpu.memref_slice %arg11[%mul3A_2, %dma_start3A_15] : memref<10112x16xf32, #tpu.memory_space<vmem_shared>> -> memref<632x16xf32, #tpu.memory_space<vmem_shared>>
      %dma_start3A_17 = arith.constant 0 : i32
      %dma_start3A_18 = tpu.memref_slice %arg4[%mul3A_2, %dma_start3A_17] : memref<10112x16xf32, #tpu.memory_space<hbm>> -> memref<632x16xf32, #tpu.memory_space<hbm>>
      tpu.enqueue_dma source(%dma_start3A_18 : memref<632x16xf32, #tpu.memory_space<hbm>>) target(%dma_start3A_16 : memref<632x16xf32, #tpu.memory_space<vmem_shared>>) target_semaphore(%run_scoped3A : memref<!tpu.dma_semaphore, #tpu.memory_space<semaphore_mem>>)
      %dma_wait3A = arith.constant 0 : i32
      %dma_wait3A_19 = tpu.memref_slice %arg11[%mul3A_2, %dma_wait3A] : memref<10112x16xf32, #tpu.memory_space<vmem_shared>> -> memref<632x16xf32, #tpu.memory_space<vmem_shared>>
      %dma_wait3A_20 = arith.constant 0 : i32
      %dma_wait3A_21 = tpu.memref_slice %arg4[%mul3A_2, %dma_wait3A_20] : memref<10112x16xf32, #tpu.memory_space<hbm>> -> memref<632x16xf32, #tpu.memory_space<hbm>>
      tpu.wait_dma2 semaphore(%run_scoped3A : memref<!tpu.dma_semaphore, #tpu.memory_space<semaphore_mem>>) src(%dma_wait3A_21 : memref<632x16xf32, #tpu.memory_space<hbm>>) dst(%dma_wait3A_19 : memref<632x16xf32, #tpu.memory_space<vmem_shared>>)
      tpu.yield
    }) : () -> ()
    "tpu.region"() ({
      %run_scoped3A = tpu.sem_alloc : memref<!tpu.dma_semaphore, #tpu.memory_space<semaphore_mem>>
      %dma_start3A_15 = arith.constant 0 : i32
      %dma_start3A_16 = arith.constant 0 : i32
      %dma_start3A_17 = tpu.memref_slice %arg2[%add3A, %dma_start3A_15, %dma_start3A_16] : memref<32x80x128xi32, #tpu.memory_space<hbm>> -> memref<1x80x128xi32, #tpu.memory_space<hbm>>
      %dma_start3A_18 = tpu.memref_squeeze %dma_start3A_17 : memref<1x80x128xi32, #tpu.memory_space<hbm>> -> memref<80x128xi32, #tpu.memory_space<hbm>>
      %dma_start3A_19 = arith.constant 0 : i32
      %dma_start3A_20 = arith.constant 0 : i32
      %dma_start3A_21 = tpu.memref_slice %arg2[%add3A, %dma_start3A_19, %dma_start3A_20] : memref<32x80x128xi32, #tpu.memory_space<hbm>> -> memref<1x80x128xi32, #tpu.memory_space<hbm>>
      %dma_start3A_22 = tpu.memref_squeeze %dma_start3A_21 : memref<1x80x128xi32, #tpu.memory_space<hbm>> -> memref<80x128xi32, #tpu.memory_space<hbm>>
      tpu.enqueue_dma source(%dma_start3A_22 : memref<80x128xi32, #tpu.memory_space<hbm>>) target(%arg7 : memref<80x128xi32, #tpu.memory_space<vmem>>) target_semaphore(%run_scoped3A : memref<!tpu.dma_semaphore, #tpu.memory_space<semaphore_mem>>)
      %dma_wait3A = arith.constant 0 : i32
      %dma_wait3A_23 = arith.constant 0 : i32
      %dma_wait3A_24 = tpu.memref_slice %arg2[%add3A, %dma_wait3A, %dma_wait3A_23] : memref<32x80x128xi32, #tpu.memory_space<hbm>> -> memref<1x80x128xi32, #tpu.memory_space<hbm>>
      %dma_wait3A_25 = tpu.memref_squeeze %dma_wait3A_24 : memref<1x80x128xi32, #tpu.memory_space<hbm>> -> memref<80x128xi32, #tpu.memory_space<hbm>>
      %dma_wait3A_26 = arith.constant 0 : i32
      %dma_wait3A_27 = arith.constant 0 : i32
      %dma_wait3A_28 = tpu.memref_slice %arg2[%add3A, %dma_wait3A_26, %dma_wait3A_27] : memref<32x80x128xi32, #tpu.memory_space<hbm>> -> memref<1x80x128xi32, #tpu.memory_space<hbm>>
      %dma_wait3A_29 = tpu.memref_squeeze %dma_wait3A_28 : memref<1x80x128xi32, #tpu.memory_space<hbm>> -> memref<80x128xi32, #tpu.memory_space<hbm>>
      tpu.wait_dma2 semaphore(%run_scoped3A : memref<!tpu.dma_semaphore, #tpu.memory_space<semaphore_mem>>) src(%dma_wait3A_29 : memref<80x128xi32, #tpu.memory_space<hbm>>) dst(%arg7 : memref<80x128xi32, #tpu.memory_space<vmem>>)
      tpu.yield
    }) : () -> ()
    "tpu.region"() ({
      %run_scoped3A = tpu.sem_alloc : memref<!tpu.dma_semaphore, #tpu.memory_space<semaphore_mem>>
      %dma_start3A_15 = arith.constant 0 : i32
      %dma_start3A_16 = arith.constant 0 : i32
      %dma_start3A_17 = tpu.memref_slice %arg3[%add3A, %dma_start3A_15, %dma_start3A_16] : memref<32x80x128xi32, #tpu.memory_space<hbm>> -> memref<1x80x128xi32, #tpu.memory_space<hbm>>
      %dma_start3A_18 = tpu.memref_squeeze %dma_start3A_17 : memref<1x80x128xi32, #tpu.memory_space<hbm>> -> memref<80x128xi32, #tpu.memory_space<hbm>>
      %dma_start3A_19 = arith.constant 0 : i32
      %dma_start3A_20 = arith.constant 0 : i32
      %dma_start3A_21 = tpu.memref_slice %arg3[%add3A, %dma_start3A_19, %dma_start3A_20] : memref<32x80x128xi32, #tpu.memory_space<hbm>> -> memref<1x80x128xi32, #tpu.memory_space<hbm>>
      %dma_start3A_22 = tpu.memref_squeeze %dma_start3A_21 : memref<1x80x128xi32, #tpu.memory_space<hbm>> -> memref<80x128xi32, #tpu.memory_space<hbm>>
      tpu.enqueue_dma source(%dma_start3A_22 : memref<80x128xi32, #tpu.memory_space<hbm>>) target(%arg8 : memref<80x128xi32, #tpu.memory_space<vmem>>) target_semaphore(%run_scoped3A : memref<!tpu.dma_semaphore, #tpu.memory_space<semaphore_mem>>)
      %dma_wait3A = arith.constant 0 : i32
      %dma_wait3A_23 = arith.constant 0 : i32
      %dma_wait3A_24 = tpu.memref_slice %arg3[%add3A, %dma_wait3A, %dma_wait3A_23] : memref<32x80x128xi32, #tpu.memory_space<hbm>> -> memref<1x80x128xi32, #tpu.memory_space<hbm>>
      %dma_wait3A_25 = tpu.memref_squeeze %dma_wait3A_24 : memref<1x80x128xi32, #tpu.memory_space<hbm>> -> memref<80x128xi32, #tpu.memory_space<hbm>>
      %dma_wait3A_26 = arith.constant 0 : i32
      %dma_wait3A_27 = arith.constant 0 : i32
      %dma_wait3A_28 = tpu.memref_slice %arg3[%add3A, %dma_wait3A_26, %dma_wait3A_27] : memref<32x80x128xi32, #tpu.memory_space<hbm>> -> memref<1x80x128xi32, #tpu.memory_space<hbm>>
      %dma_wait3A_29 = tpu.memref_squeeze %dma_wait3A_28 : memref<1x80x128xi32, #tpu.memory_space<hbm>> -> memref<80x128xi32, #tpu.memory_space<hbm>>
      tpu.wait_dma2 semaphore(%run_scoped3A : memref<!tpu.dma_semaphore, #tpu.memory_space<semaphore_mem>>) src(%dma_wait3A_29 : memref<80x128xi32, #tpu.memory_space<hbm>>) dst(%arg8 : memref<80x128xi32, #tpu.memory_space<vmem>>)
      tpu.yield
    }) : () -> ()
    %barrier3A = arith.constant 0 : index
    tpu.barrier barrier_id(%barrier3A)
    %dma_start3A = arith.constant 0 : i32
    %dma_start3A_3 = arith.constant 0 : i32
    %dma_start3A_4 = tpu.memref_slice %arg7[%dma_start3A, %dma_start3A_3] : memref<80x128xi32, #tpu.memory_space<vmem>> -> memref<1x128xi32, #tpu.memory_space<vmem>>
    %dma_start3A_5 = tpu.memref_squeeze %dma_start3A_4 : memref<1x128xi32, #tpu.memory_space<vmem>> -> memref<128xi32, #tpu.memory_space<vmem>>
    %dma_start3A_6 = arith.constant 0 : i32
    %dma_start3A_7 = arith.constant 0 : i32
    %dma_start3A_8 = tpu.memref_slice %arg11[%dma_start3A_6, %dma_start3A_7] : memref<10112x16xf32, #tpu.memory_space<vmem_shared>> -> memref<10112x16xf32, #tpu.memory_space<vmem_shared>>
    tpu.enqueue_indirect_dma source(%dma_start3A_8 : memref<10112x16xf32, #tpu.memory_space<vmem_shared>>) target(%arg9 : memref<128x16xf32, #tpu.memory_space<vmem>>) offsets(%dma_start3A_5 : memref<128xi32, #tpu.memory_space<vmem>>) semaphore(%arg13 : memref<!tpu.dma_semaphore, #tpu.memory_space<semaphore_mem>>)
    %scan3A = arith.constant 0 : i32
    %scan3A_9 = arith.constant 0 : i32
    %scan3A_10 = arith.constant 40 : i32
    %scan3A_11 = arith.addi %scan3A_9, %scan3A_10 : i32
    %scan3A_12 = arith.constant 1 : i32
    scf.for %scan3A_15 = %scan3A_9 to %scan3A_11 step %scan3A_12  : i32 {
      %mul3A_16 = arith.constant 2 : i32
      %mul3A_17 = arith.muli %mul3A_16, %scan3A_15 : i32
      %add3A_18 = arith.constant 1 : i32
      %add3A_19 = arith.addi %mul3A_17, %add3A_18 : i32
      %dma_start3A_20 = arith.constant 0 : i32
      %dma_start3A_21 = tpu.memref_slice %arg7[%add3A_19, %dma_start3A_20] : memref<80x128xi32, #tpu.memory_space<vmem>> -> memref<1x128xi32, #tpu.memory_space<vmem>>
      %dma_start3A_22 = tpu.memref_squeeze %dma_start3A_21 : memref<1x128xi32, #tpu.memory_space<vmem>> -> memref<128xi32, #tpu.memory_space<vmem>>
      %dma_start3A_23 = arith.constant 0 : i32
      %dma_start3A_24 = arith.constant 0 : i32
      %dma_start3A_25 = tpu.memref_slice %arg11[%dma_start3A_23, %dma_start3A_24] : memref<10112x16xf32, #tpu.memory_space<vmem_shared>> -> memref<10112x16xf32, #tpu.memory_space<vmem_shared>>
      tpu.enqueue_indirect_dma source(%dma_start3A_25 : memref<10112x16xf32, #tpu.memory_space<vmem_shared>>) target(%arg10 : memref<128x16xf32, #tpu.memory_space<vmem>>) offsets(%dma_start3A_22 : memref<128xi32, #tpu.memory_space<vmem>>) semaphore(%arg14 : memref<!tpu.dma_semaphore, #tpu.memory_space<semaphore_mem>>)
      %dma_wait3A = arith.constant 0 : i32
      %dma_wait3A_26 = tpu.memref_slice %arg7[%mul3A_17, %dma_wait3A] : memref<80x128xi32, #tpu.memory_space<vmem>> -> memref<1x128xi32, #tpu.memory_space<vmem>>
      %dma_wait3A_27 = tpu.memref_squeeze %dma_wait3A_26 : memref<1x128xi32, #tpu.memory_space<vmem>> -> memref<128xi32, #tpu.memory_space<vmem>>
      %dma_wait3A_28 = arith.constant 0 : i32
      %dma_wait3A_29 = arith.constant 0 : i32
      %dma_wait3A_30 = tpu.memref_slice %arg11[%dma_wait3A_28, %dma_wait3A_29] : memref<10112x16xf32, #tpu.memory_space<vmem_shared>> -> memref<10112x16xf32, #tpu.memory_space<vmem_shared>>
      tpu.wait_indirect_dma semaphore(%arg13 : memref<!tpu.dma_semaphore, #tpu.memory_space<semaphore_mem>>) src(%dma_wait3A_30 : memref<10112x16xf32, #tpu.memory_space<vmem_shared>>) dst(%arg9 : memref<128x16xf32, #tpu.memory_space<vmem>>)
      "tpu.region"() ({
        %run_scoped3A = tpu.sem_alloc : memref<!tpu.dma_semaphore, #tpu.memory_space<semaphore_mem>>
        %dma_start3A_45 = arith.constant 0 : i32
        %dma_start3A_46 = tpu.memref_slice %arg8[%mul3A_17, %dma_start3A_45] : memref<80x128xi32, #tpu.memory_space<vmem>> -> memref<1x128xi32, #tpu.memory_space<vmem>>
        %dma_start3A_47 = tpu.memref_squeeze %dma_start3A_46 : memref<1x128xi32, #tpu.memory_space<vmem>> -> memref<128xi32, #tpu.memory_space<vmem>>
        %dma_start3A_48 = arith.constant 0 : i32
        %dma_start3A_49 = arith.constant 0 : i32
        %dma_start3A_50 = tpu.memref_slice %arg12[%dma_start3A_48, %dma_start3A_49] : memref<10112x16xf32, #tpu.memory_space<vmem_shared>> -> memref<10112x16xf32, #tpu.memory_space<vmem_shared>>
        tpu.enqueue_indirect_dma source(%arg9 : memref<128x16xf32, #tpu.memory_space<vmem>>) target(%dma_start3A_50 : memref<10112x16xf32, #tpu.memory_space<vmem_shared>>) offsets(%dma_start3A_47 : memref<128xi32, #tpu.memory_space<vmem>>) semaphore(%run_scoped3A : memref<!tpu.dma_semaphore, #tpu.memory_space<semaphore_mem>>) {add = true}
        %dma_wait3A_51 = arith.constant 0 : i32
        %dma_wait3A_52 = tpu.memref_slice %arg8[%mul3A_17, %dma_wait3A_51] : memref<80x128xi32, #tpu.memory_space<vmem>> -> memref<1x128xi32, #tpu.memory_space<vmem>>
        %dma_wait3A_53 = tpu.memref_squeeze %dma_wait3A_52 : memref<1x128xi32, #tpu.memory_space<vmem>> -> memref<128xi32, #tpu.memory_space<vmem>>
        %dma_wait3A_54 = arith.constant 0 : i32
        %dma_wait3A_55 = arith.constant 0 : i32
        %dma_wait3A_56 = tpu.memref_slice %arg12[%dma_wait3A_54, %dma_wait3A_55] : memref<10112x16xf32, #tpu.memory_space<vmem_shared>> -> memref<10112x16xf32, #tpu.memory_space<vmem_shared>>
        tpu.wait_indirect_dma semaphore(%run_scoped3A : memref<!tpu.dma_semaphore, #tpu.memory_space<semaphore_mem>>) src(%arg9 : memref<128x16xf32, #tpu.memory_space<vmem>>) dst(%dma_wait3A_56 : memref<10112x16xf32, #tpu.memory_space<vmem_shared>>)
        tpu.yield
      }) : () -> ()
      %add3A_31 = arith.constant 2 : i32
      %add3A_32 = arith.addi %mul3A_17, %add3A_31 : i32
      %lt3A = arith.constant 80 : i32
      %lt3A_33 = arith.cmpi slt, %add3A_32, %lt3A : i32
      %convert_element_type3A = arith.extui %lt3A_33 : i1 to i32
      %cond3A = arith.constant 0 : i32
      %cond3A_34 = arith.cmpi ne, %convert_element_type3A, %cond3A : i32
      scf.if %cond3A_34 {
        %add3A_45 = arith.constant 2 : i32
        %add3A_46 = arith.addi %mul3A_17, %add3A_45 : i32
        %dma_start3A_47 = arith.constant 0 : i32
        %dma_start3A_48 = tpu.memref_slice %arg7[%add3A_46, %dma_start3A_47] : memref<80x128xi32, #tpu.memory_space<vmem>> -> memref<1x128xi32, #tpu.memory_space<vmem>>
        %dma_start3A_49 = tpu.memref_squeeze %dma_start3A_48 : memref<1x128xi32, #tpu.memory_space<vmem>> -> memref<128xi32, #tpu.memory_space<vmem>>
        %dma_start3A_50 = arith.constant 0 : i32
        %dma_start3A_51 = arith.constant 0 : i32
        %dma_start3A_52 = tpu.memref_slice %arg11[%dma_start3A_50, %dma_start3A_51] : memref<10112x16xf32, #tpu.memory_space<vmem_shared>> -> memref<10112x16xf32, #tpu.memory_space<vmem_shared>>
        tpu.enqueue_indirect_dma source(%dma_start3A_52 : memref<10112x16xf32, #tpu.memory_space<vmem_shared>>) target(%arg9 : memref<128x16xf32, #tpu.memory_space<vmem>>) offsets(%dma_start3A_49 : memref<128xi32, #tpu.memory_space<vmem>>) semaphore(%arg13 : memref<!tpu.dma_semaphore, #tpu.memory_space<semaphore_mem>>)
      } else {
      }
      %add3A_35 = arith.constant 1 : i32
      %add3A_36 = arith.addi %mul3A_17, %add3A_35 : i32
      %dma_wait3A_37 = arith.constant 0 : i32
      %dma_wait3A_38 = tpu.memref_slice %arg7[%add3A_36, %dma_wait3A_37] : memref<80x128xi32, #tpu.memory_space<vmem>> -> memref<1x128xi32, #tpu.memory_space<vmem>>
      %dma_wait3A_39 = tpu.memref_squeeze %dma_wait3A_38 : memref<1x128xi32, #tpu.memory_space<vmem>> -> memref<128xi32, #tpu.memory_space<vmem>>
      %dma_wait3A_40 = arith.constant 0 : i32
      %dma_wait3A_41 = arith.constant 0 : i32
      %dma_wait3A_42 = tpu.memref_slice %arg11[%dma_wait3A_40, %dma_wait3A_41] : memref<10112x16xf32, #tpu.memory_space<vmem_shared>> -> memref<10112x16xf32, #tpu.memory_space<vmem_shared>>
      tpu.wait_indirect_dma semaphore(%arg14 : memref<!tpu.dma_semaphore, #tpu.memory_space<semaphore_mem>>) src(%dma_wait3A_42 : memref<10112x16xf32, #tpu.memory_space<vmem_shared>>) dst(%arg10 : memref<128x16xf32, #tpu.memory_space<vmem>>)
      %add3A_43 = arith.constant 1 : i32
      %add3A_44 = arith.addi %mul3A_17, %add3A_43 : i32
      "tpu.region"() ({
        %run_scoped3A = tpu.sem_alloc : memref<!tpu.dma_semaphore, #tpu.memory_space<semaphore_mem>>
        %dma_start3A_45 = arith.constant 0 : i32
        %dma_start3A_46 = tpu.memref_slice %arg8[%add3A_44, %dma_start3A_45] : memref<80x128xi32, #tpu.memory_space<vmem>> -> memref<1x128xi32, #tpu.memory_space<vmem>>
        %dma_start3A_47 = tpu.memref_squeeze %dma_start3A_46 : memref<1x128xi32, #tpu.memory_space<vmem>> -> memref<128xi32, #tpu.memory_space<vmem>>
        %dma_start3A_48 = arith.constant 0 : i32
        %dma_start3A_49 = arith.constant 0 : i32
        %dma_start3A_50 = tpu.memref_slice %arg12[%dma_start3A_48, %dma_start3A_49] : memref<10112x16xf32, #tpu.memory_space<vmem_shared>> -> memref<10112x16xf32, #tpu.memory_space<vmem_shared>>
        tpu.enqueue_indirect_dma source(%arg10 : memref<128x16xf32, #tpu.memory_space<vmem>>) target(%dma_start3A_50 : memref<10112x16xf32, #tpu.memory_space<vmem_shared>>) offsets(%dma_start3A_47 : memref<128xi32, #tpu.memory_space<vmem>>) semaphore(%run_scoped3A : memref<!tpu.dma_semaphore, #tpu.memory_space<semaphore_mem>>) {add = true}
        %dma_wait3A_51 = arith.constant 0 : i32
        %dma_wait3A_52 = tpu.memref_slice %arg8[%add3A_44, %dma_wait3A_51] : memref<80x128xi32, #tpu.memory_space<vmem>> -> memref<1x128xi32, #tpu.memory_space<vmem>>
        %dma_wait3A_53 = tpu.memref_squeeze %dma_wait3A_52 : memref<1x128xi32, #tpu.memory_space<vmem>> -> memref<128xi32, #tpu.memory_space<vmem>>
        %dma_wait3A_54 = arith.constant 0 : i32
        %dma_wait3A_55 = arith.constant 0 : i32
        %dma_wait3A_56 = tpu.memref_slice %arg12[%dma_wait3A_54, %dma_wait3A_55] : memref<10112x16xf32, #tpu.memory_space<vmem_shared>> -> memref<10112x16xf32, #tpu.memory_space<vmem_shared>>
        tpu.wait_indirect_dma semaphore(%run_scoped3A : memref<!tpu.dma_semaphore, #tpu.memory_space<semaphore_mem>>) src(%arg10 : memref<128x16xf32, #tpu.memory_space<vmem>>) dst(%dma_wait3A_56 : memref<10112x16xf32, #tpu.memory_space<vmem_shared>>)
        tpu.yield
      }) : () -> ()
    }
    %scan3A_13 = arith.constant 40 : i32
    %barrier3A_14 = arith.constant 0 : index
    tpu.barrier barrier_id(%barrier3A_14)
    "tpu.region"() ({
      %run_scoped3A = tpu.sem_alloc : memref<!tpu.dma_semaphore, #tpu.memory_space<semaphore_mem>>
      %dma_start3A_15 = arith.constant 0 : i32
      %dma_start3A_16 = tpu.memref_slice %arg6[%arg0, %mul3A_2, %dma_start3A_15] : memref<2x10112x16xf32, #tpu.memory_space<hbm>> -> memref<1x632x16xf32, #tpu.memory_space<hbm>>
      %dma_start3A_17 = tpu.memref_squeeze %dma_start3A_16 : memref<1x632x16xf32, #tpu.memory_space<hbm>> -> memref<632x16xf32, #tpu.memory_space<hbm>>
      %dma_start3A_18 = arith.constant 0 : i32
      %dma_start3A_19 = tpu.memref_slice %arg12[%mul3A_2, %dma_start3A_18] : memref<10112x16xf32, #tpu.memory_space<vmem_shared>> -> memref<632x16xf32, #tpu.memory_space<vmem_shared>>
      tpu.enqueue_dma source(%dma_start3A_19 : memref<632x16xf32, #tpu.memory_space<vmem_shared>>) target(%dma_start3A_17 : memref<632x16xf32, #tpu.memory_space<hbm>>) target_semaphore(%run_scoped3A : memref<!tpu.dma_semaphore, #tpu.memory_space<semaphore_mem>>)
      %dma_wait3A = arith.constant 0 : i32
      %dma_wait3A_20 = tpu.memref_slice %arg6[%arg0, %mul3A_2, %dma_wait3A] : memref<2x10112x16xf32, #tpu.memory_space<hbm>> -> memref<1x632x16xf32, #tpu.memory_space<hbm>>
      %dma_wait3A_21 = tpu.memref_squeeze %dma_wait3A_20 : memref<1x632x16xf32, #tpu.memory_space<hbm>> -> memref<632x16xf32, #tpu.memory_space<hbm>>
      %dma_wait3A_22 = arith.constant 0 : i32
      %dma_wait3A_23 = tpu.memref_slice %arg12[%mul3A_2, %dma_wait3A_22] : memref<10112x16xf32, #tpu.memory_space<vmem_shared>> -> memref<632x16xf32, #tpu.memory_space<vmem_shared>>
      tpu.wait_dma2 semaphore(%run_scoped3A : memref<!tpu.dma_semaphore, #tpu.memory_space<semaphore_mem>>) src(%dma_wait3A_23 : memref<632x16xf32, #tpu.memory_space<vmem_shared>>) dst(%dma_wait3A_21 : memref<632x16xf32, #tpu.memory_space<hbm>>)
      tpu.yield
    }) : () -> ()
    return
  }
}

module attributes {stable_mosaic.version = 14 : i64} {
  func.func @_tc1_body(%arg0: memref<1250x8x128xf32, #tpu.memory_space<vmem>>, %arg1: memref<8x128x128xf32, #tpu.memory_space<vmem>>, %arg2: memref<2x1264x128xf32, #tpu.memory_space<vmem>>, %arg3: memref<1264x128xf32, #tpu.memory_space<vmem>>, %arg4: memref<1264x128xf32, #tpu.memory_space<vmem>>, %arg5: memref<1264x128xf32, #tpu.memory_space<vmem>>) attributes {dimension_semantics = [], scalar_prefetch = 0 : i64, scratch_operands = 0 : i64, tpu.core_type = #tpu.core_type<tc>} {
    %get3A = arith.constant 0 : index
    %get3A_0 = arith.constant 0 : index
    %get3A_1 = arith.constant 0 : index
    %get3A_2 = vector.load %arg2[%get3A, %get3A_0, %get3A_1] : memref<2x1264x128xf32, #tpu.memory_space<vmem>>, vector<1x1264x128xf32>
    %get3A_3 = vector.shape_cast %get3A_2 : vector<1x1264x128xf32> to vector<1264x128xf32>
    %get3A_4 = arith.constant 1 : index
    %get3A_5 = arith.constant 0 : index
    %get3A_6 = arith.constant 0 : index
    %get3A_7 = vector.load %arg2[%get3A_4, %get3A_5, %get3A_6] : memref<2x1264x128xf32, #tpu.memory_space<vmem>>, vector<1x1264x128xf32>
    %get3A_8 = vector.shape_cast %get3A_7 : vector<1x1264x128xf32> to vector<1264x128xf32>
    %add3A = arith.addf %get3A_3, %get3A_8 : vector<1264x128xf32>
    %add3A_9 = arith.constant 1.000000e+00 : f32
    %add3A_10 = vector.broadcast %add3A_9 : f32 to vector<1264x128xf32>
    %add3A_11 = arith.addf %add3A, %add3A_10 : vector<1264x128xf32>
    %rsqrt3A = math.rsqrt %add3A_11 : vector<1264x128xf32>
    %get3A_12 = arith.constant 0 : index
    %get3A_13 = arith.constant 0 : index
    %get3A_14 = arith.constant 0 : index
    %get3A_15 = vector.load %arg0[%get3A_12, %get3A_13, %get3A_14] : memref<1250x8x128xf32, #tpu.memory_space<vmem>>, vector<1250x1x128xf32>
    %get3A_16 = vector.shape_cast %get3A_15 : vector<1250x1x128xf32> to vector<1250x128xf32>
    %get3A_17 = arith.constant 0 : index
    %get3A_18 = arith.constant 0 : index
    %get3A_19 = arith.constant 0 : index
    %get3A_20 = vector.load %arg1[%get3A_17, %get3A_18, %get3A_19] : memref<8x128x128xf32, #tpu.memory_space<vmem>>, vector<1x128x128xf32>
    %get3A_21 = vector.shape_cast %get3A_20 : vector<1x128x128xf32> to vector<128x128xf32>
    %dot_general3A = arith.constant dense<0.000000e+00> : vector<1250x128xf32>
    %dot_general3A_22 = tpu.matmul %get3A_16, %get3A_21, %dot_general3A {dimension_numbers = #tpu.dot_dimension_numbers<[1], [0], [0], [1], [0, 0, 1, 1], [], []>, transpose_lhs_hint = false} : vector<1250x128xf32>, vector<128x128xf32>, vector<1250x128xf32> -> vector<1250x128xf32>
    %get3A_23 = arith.constant 0 : index
    %get3A_24 = arith.constant 1 : index
    %get3A_25 = arith.constant 0 : index
    %get3A_26 = vector.load %arg0[%get3A_23, %get3A_24, %get3A_25] : memref<1250x8x128xf32, #tpu.memory_space<vmem>>, vector<1250x1x128xf32>
    %get3A_27 = vector.shape_cast %get3A_26 : vector<1250x1x128xf32> to vector<1250x128xf32>
    %get3A_28 = arith.constant 1 : index
    %get3A_29 = arith.constant 0 : index
    %get3A_30 = arith.constant 0 : index
    %get3A_31 = vector.load %arg1[%get3A_28, %get3A_29, %get3A_30] : memref<8x128x128xf32, #tpu.memory_space<vmem>>, vector<1x128x128xf32>
    %get3A_32 = vector.shape_cast %get3A_31 : vector<1x128x128xf32> to vector<128x128xf32>
    %dot_general3A_33 = arith.constant dense<0.000000e+00> : vector<1250x128xf32>
    %dot_general3A_34 = tpu.matmul %get3A_27, %get3A_32, %dot_general3A_33 {dimension_numbers = #tpu.dot_dimension_numbers<[1], [0], [0], [1], [0, 0, 1, 1], [], []>, transpose_lhs_hint = false} : vector<1250x128xf32>, vector<128x128xf32>, vector<1250x128xf32> -> vector<1250x128xf32>
    %add3A_35 = arith.addf %dot_general3A_22, %dot_general3A_34 : vector<1250x128xf32>
    %get3A_36 = arith.constant 0 : index
    %get3A_37 = arith.constant 2 : index
    %get3A_38 = arith.constant 0 : index
    %get3A_39 = vector.load %arg0[%get3A_36, %get3A_37, %get3A_38] : memref<1250x8x128xf32, #tpu.memory_space<vmem>>, vector<1250x1x128xf32>
    %get3A_40 = vector.shape_cast %get3A_39 : vector<1250x1x128xf32> to vector<1250x128xf32>
    %get3A_41 = arith.constant 2 : index
    %get3A_42 = arith.constant 0 : index
    %get3A_43 = arith.constant 0 : index
    %get3A_44 = vector.load %arg1[%get3A_41, %get3A_42, %get3A_43] : memref<8x128x128xf32, #tpu.memory_space<vmem>>, vector<1x128x128xf32>
    %get3A_45 = vector.shape_cast %get3A_44 : vector<1x128x128xf32> to vector<128x128xf32>
    %dot_general3A_46 = arith.constant dense<0.000000e+00> : vector<1250x128xf32>
    %dot_general3A_47 = tpu.matmul %get3A_40, %get3A_45, %dot_general3A_46 {dimension_numbers = #tpu.dot_dimension_numbers<[1], [0], [0], [1], [0, 0, 1, 1], [], []>, transpose_lhs_hint = false} : vector<1250x128xf32>, vector<128x128xf32>, vector<1250x128xf32> -> vector<1250x128xf32>
    %add3A_48 = arith.addf %add3A_35, %dot_general3A_47 : vector<1250x128xf32>
    %get3A_49 = arith.constant 0 : index
    %get3A_50 = arith.constant 3 : index
    %get3A_51 = arith.constant 0 : index
    %get3A_52 = vector.load %arg0[%get3A_49, %get3A_50, %get3A_51] : memref<1250x8x128xf32, #tpu.memory_space<vmem>>, vector<1250x1x128xf32>
    %get3A_53 = vector.shape_cast %get3A_52 : vector<1250x1x128xf32> to vector<1250x128xf32>
    %get3A_54 = arith.constant 3 : index
    %get3A_55 = arith.constant 0 : index
    %get3A_56 = arith.constant 0 : index
    %get3A_57 = vector.load %arg1[%get3A_54, %get3A_55, %get3A_56] : memref<8x128x128xf32, #tpu.memory_space<vmem>>, vector<1x128x128xf32>
    %get3A_58 = vector.shape_cast %get3A_57 : vector<1x128x128xf32> to vector<128x128xf32>
    %dot_general3A_59 = arith.constant dense<0.000000e+00> : vector<1250x128xf32>
    %dot_general3A_60 = tpu.matmul %get3A_53, %get3A_58, %dot_general3A_59 {dimension_numbers = #tpu.dot_dimension_numbers<[1], [0], [0], [1], [0, 0, 1, 1], [], []>, transpose_lhs_hint = false} : vector<1250x128xf32>, vector<128x128xf32>, vector<1250x128xf32> -> vector<1250x128xf32>
    %add3A_61 = arith.addf %add3A_48, %dot_general3A_60 : vector<1250x128xf32>
    %get3A_62 = arith.constant 0 : index
    %get3A_63 = arith.constant 4 : index
    %get3A_64 = arith.constant 0 : index
    %get3A_65 = vector.load %arg0[%get3A_62, %get3A_63, %get3A_64] : memref<1250x8x128xf32, #tpu.memory_space<vmem>>, vector<1250x1x128xf32>
    %get3A_66 = vector.shape_cast %get3A_65 : vector<1250x1x128xf32> to vector<1250x128xf32>
    %get3A_67 = arith.constant 4 : index
    %get3A_68 = arith.constant 0 : index
    %get3A_69 = arith.constant 0 : index
    %get3A_70 = vector.load %arg1[%get3A_67, %get3A_68, %get3A_69] : memref<8x128x128xf32, #tpu.memory_space<vmem>>, vector<1x128x128xf32>
    %get3A_71 = vector.shape_cast %get3A_70 : vector<1x128x128xf32> to vector<128x128xf32>
    %dot_general3A_72 = arith.constant dense<0.000000e+00> : vector<1250x128xf32>
    %dot_general3A_73 = tpu.matmul %get3A_66, %get3A_71, %dot_general3A_72 {dimension_numbers = #tpu.dot_dimension_numbers<[1], [0], [0], [1], [0, 0, 1, 1], [], []>, transpose_lhs_hint = false} : vector<1250x128xf32>, vector<128x128xf32>, vector<1250x128xf32> -> vector<1250x128xf32>
    %add3A_74 = arith.addf %add3A_61, %dot_general3A_73 : vector<1250x128xf32>
    %get3A_75 = arith.constant 0 : index
    %get3A_76 = arith.constant 5 : index
    %get3A_77 = arith.constant 0 : index
    %get3A_78 = vector.load %arg0[%get3A_75, %get3A_76, %get3A_77] : memref<1250x8x128xf32, #tpu.memory_space<vmem>>, vector<1250x1x128xf32>
    %get3A_79 = vector.shape_cast %get3A_78 : vector<1250x1x128xf32> to vector<1250x128xf32>
    %get3A_80 = arith.constant 5 : index
    %get3A_81 = arith.constant 0 : index
    %get3A_82 = arith.constant 0 : index
    %get3A_83 = vector.load %arg1[%get3A_80, %get3A_81, %get3A_82] : memref<8x128x128xf32, #tpu.memory_space<vmem>>, vector<1x128x128xf32>
    %get3A_84 = vector.shape_cast %get3A_83 : vector<1x128x128xf32> to vector<128x128xf32>
    %dot_general3A_85 = arith.constant dense<0.000000e+00> : vector<1250x128xf32>
    %dot_general3A_86 = tpu.matmul %get3A_79, %get3A_84, %dot_general3A_85 {dimension_numbers = #tpu.dot_dimension_numbers<[1], [0], [0], [1], [0, 0, 1, 1], [], []>, transpose_lhs_hint = false} : vector<1250x128xf32>, vector<128x128xf32>, vector<1250x128xf32> -> vector<1250x128xf32>
    %add3A_87 = arith.addf %add3A_74, %dot_general3A_86 : vector<1250x128xf32>
    %get3A_88 = arith.constant 0 : index
    %get3A_89 = arith.constant 6 : index
    %get3A_90 = arith.constant 0 : index
    %get3A_91 = vector.load %arg0[%get3A_88, %get3A_89, %get3A_90] : memref<1250x8x128xf32, #tpu.memory_space<vmem>>, vector<1250x1x128xf32>
    %get3A_92 = vector.shape_cast %get3A_91 : vector<1250x1x128xf32> to vector<1250x128xf32>
    %get3A_93 = arith.constant 6 : index
    %get3A_94 = arith.constant 0 : index
    %get3A_95 = arith.constant 0 : index
    %get3A_96 = vector.load %arg1[%get3A_93, %get3A_94, %get3A_95] : memref<8x128x128xf32, #tpu.memory_space<vmem>>, vector<1x128x128xf32>
    %get3A_97 = vector.shape_cast %get3A_96 : vector<1x128x128xf32> to vector<128x128xf32>
    %dot_general3A_98 = arith.constant dense<0.000000e+00> : vector<1250x128xf32>
    %dot_general3A_99 = tpu.matmul %get3A_92, %get3A_97, %dot_general3A_98 {dimension_numbers = #tpu.dot_dimension_numbers<[1], [0], [0], [1], [0, 0, 1, 1], [], []>, transpose_lhs_hint = false} : vector<1250x128xf32>, vector<128x128xf32>, vector<1250x128xf32> -> vector<1250x128xf32>
    %add3A_100 = arith.addf %add3A_87, %dot_general3A_99 : vector<1250x128xf32>
    %get3A_101 = arith.constant 0 : index
    %get3A_102 = arith.constant 7 : index
    %get3A_103 = arith.constant 0 : index
    %get3A_104 = vector.load %arg0[%get3A_101, %get3A_102, %get3A_103] : memref<1250x8x128xf32, #tpu.memory_space<vmem>>, vector<1250x1x128xf32>
    %get3A_105 = vector.shape_cast %get3A_104 : vector<1250x1x128xf32> to vector<1250x128xf32>
    %get3A_106 = arith.constant 7 : index
    %get3A_107 = arith.constant 0 : index
    %get3A_108 = arith.constant 0 : index
    %get3A_109 = vector.load %arg1[%get3A_106, %get3A_107, %get3A_108] : memref<8x128x128xf32, #tpu.memory_space<vmem>>, vector<1x128x128xf32>
    %get3A_110 = vector.shape_cast %get3A_109 : vector<1x128x128xf32> to vector<128x128xf32>
    %dot_general3A_111 = arith.constant dense<0.000000e+00> : vector<1250x128xf32>
    %dot_general3A_112 = tpu.matmul %get3A_105, %get3A_110, %dot_general3A_111 {dimension_numbers = #tpu.dot_dimension_numbers<[1], [0], [0], [1], [0, 0, 1, 1], [], []>, transpose_lhs_hint = false} : vector<1250x128xf32>, vector<128x128xf32>, vector<1250x128xf32> -> vector<1250x128xf32>
    %add3A_113 = arith.addf %add3A_100, %dot_general3A_112 : vector<1250x128xf32>
    %swap3A = arith.constant 0 : index
    %swap3A_114 = arith.constant 0 : index
    %swap3A_115 = vector.load %arg3[%swap3A, %swap3A_114] : memref<1264x128xf32, #tpu.memory_space<vmem>>, vector<1250x128xf32>
    tpu.vector_store %arg3[%swap3A, %swap3A_114], %add3A_113 {strides = array<i32>} : memref<1264x128xf32, #tpu.memory_space<vmem>>, vector<1250x128xf32>,
    %broadcast_in_dim3A = arith.constant 0.000000e+00 : f32
    %broadcast_in_dim3A_116 = vector.broadcast %broadcast_in_dim3A : f32 to vector<14x128xf32>
    %swap3A_117 = arith.constant 1250 : index
    %swap3A_118 = arith.constant 0 : index
    %swap3A_119 = vector.load %arg3[%swap3A_117, %swap3A_118] : memref<1264x128xf32, #tpu.memory_space<vmem>>, vector<14x128xf32>
    tpu.vector_store %arg3[%swap3A_117, %swap3A_118], %broadcast_in_dim3A_116 {strides = array<i32>} : memref<1264x128xf32, #tpu.memory_space<vmem>>, vector<14x128xf32>,
    %slice3A = vector.extract_strided_slice %rsqrt3A {offsets = [0, 0], sizes = [1250, 128], strides = [1, 1]} : vector<1264x128xf32> to vector<1250x128xf32>
    %mul3A = arith.mulf %slice3A, %add3A_113 : vector<1250x128xf32>
    %swap3A_120 = arith.constant 0 : index
    %swap3A_121 = arith.constant 0 : index
    %swap3A_122 = vector.load %arg4[%swap3A_120, %swap3A_121] : memref<1264x128xf32, #tpu.memory_space<vmem>>, vector<1250x128xf32>
    tpu.vector_store %arg4[%swap3A_120, %swap3A_121], %mul3A {strides = array<i32>} : memref<1264x128xf32, #tpu.memory_space<vmem>>, vector<1250x128xf32>,
    %broadcast_in_dim3A_123 = arith.constant 0.000000e+00 : f32
    %broadcast_in_dim3A_124 = vector.broadcast %broadcast_in_dim3A_123 : f32 to vector<14x128xf32>
    %swap3A_125 = arith.constant 1250 : index
    %swap3A_126 = arith.constant 0 : index
    %swap3A_127 = vector.load %arg4[%swap3A_125, %swap3A_126] : memref<1264x128xf32, #tpu.memory_space<vmem>>, vector<14x128xf32>
    tpu.vector_store %arg4[%swap3A_125, %swap3A_126], %broadcast_in_dim3A_124 {strides = array<i32>} : memref<1264x128xf32, #tpu.memory_space<vmem>>, vector<14x128xf32>,
    %swap3A_128 = arith.constant 0 : index
    %swap3A_129 = arith.constant 0 : index
    %swap3A_130 = vector.load %arg5[%swap3A_128, %swap3A_129] : memref<1264x128xf32, #tpu.memory_space<vmem>>, vector<1264x128xf32>
    tpu.vector_store %arg5[%swap3A_128, %swap3A_129], %rsqrt3A {strides = array<i32>} : memref<1264x128xf32, #tpu.memory_space<vmem>>, vector<1264x128xf32>,
    return
  }
}

module attributes {stable_mosaic.version = 14 : i64} {
  func.func @_tc2_body(%arg0: memref<2x1264x128xf32, #tpu.memory_space<vmem>>, %arg1: memref<1264x128xf32, #tpu.memory_space<vmem>>, %arg2: memref<1264x128xf32, #tpu.memory_space<vmem>>, %arg3: memref<1x128xf32, #tpu.memory_space<vmem>>, %arg4: memref<128x128xf32, #tpu.memory_space<vmem>>, %arg5: memref<1264x128xf32, #tpu.memory_space<vmem>>, %arg6: memref<1264x128xf32, #tpu.memory_space<vmem>>) attributes {dimension_semantics = [], scalar_prefetch = 0 : i64, scratch_operands = 0 : i64, tpu.core_type = #tpu.core_type<tc>} {
    %get3A = arith.constant 0 : index
    %get3A_0 = arith.constant 0 : index
    %get3A_1 = vector.load %arg2[%get3A, %get3A_0] : memref<1264x128xf32, #tpu.memory_space<vmem>>, vector<1264x128xf32>
    %get3A_2 = arith.constant 0 : index
    %get3A_3 = arith.constant 0 : index
    %get3A_4 = arith.constant 0 : index
    %get3A_5 = vector.load %arg0[%get3A_2, %get3A_3, %get3A_4] : memref<2x1264x128xf32, #tpu.memory_space<vmem>>, vector<1x1264x128xf32>
    %get3A_6 = vector.shape_cast %get3A_5 : vector<1x1264x128xf32> to vector<1264x128xf32>
    %get3A_7 = arith.constant 1 : index
    %get3A_8 = arith.constant 0 : index
    %get3A_9 = arith.constant 0 : index
    %get3A_10 = vector.load %arg0[%get3A_7, %get3A_8, %get3A_9] : memref<2x1264x128xf32, #tpu.memory_space<vmem>>, vector<1x1264x128xf32>
    %get3A_11 = vector.shape_cast %get3A_10 : vector<1x1264x128xf32> to vector<1264x128xf32>
    %add3A = arith.addf %get3A_6, %get3A_11 : vector<1264x128xf32>
    %mul3A = arith.mulf %get3A_1, %add3A : vector<1264x128xf32>
    %mul3A_12 = arith.mulf %get3A_1, %get3A_1 : vector<1264x128xf32>
    %get3A_13 = arith.constant 0 : index
    %get3A_14 = arith.constant 0 : index
    %get3A_15 = vector.load %arg1[%get3A_13, %get3A_14] : memref<1264x128xf32, #tpu.memory_space<vmem>>, vector<1264x128xf32>
    %mul3A_16 = arith.mulf %mul3A_12, %get3A_15 : vector<1264x128xf32>
    %add3A_17 = arith.addf %mul3A, %mul3A_16 : vector<1264x128xf32>
    %get3A_18 = arith.constant 0 : index
    %get3A_19 = arith.constant 0 : index
    %get3A_20 = vector.load %arg3[%get3A_18, %get3A_19] : memref<1x128xf32, #tpu.memory_space<vmem>>, vector<1x128xf32>
    %add3A_21 = vector.broadcast %get3A_20 : vector<1x128xf32> to vector<1264x128xf32>
    %add3A_22 = arith.addf %add3A_17, %add3A_21 : vector<1264x128xf32>
    %max3A = arith.constant 0.000000e+00 : f32
    %max3A_23 = vector.broadcast %max3A : f32 to vector<1264x128xf32>
    %max3A_24 = arith.maximumf %add3A_22, %max3A_23 : vector<1264x128xf32>
    %get3A_25 = arith.constant 0 : index
    %get3A_26 = arith.constant 0 : index
    %get3A_27 = vector.load %arg4[%get3A_25, %get3A_26] : memref<128x128xf32, #tpu.memory_space<vmem>>, vector<128x128xf32>
    %dot_general3A = arith.constant dense<0.000000e+00> : vector<1264x128xf32>
    %dot_general3A_28 = tpu.matmul %max3A_24, %get3A_27, %dot_general3A {dimension_numbers = #tpu.dot_dimension_numbers<[1], [0], [0], [1], [0, 0, 1, 1], [], []>, transpose_lhs_hint = false} : vector<1264x128xf32>, vector<128x128xf32>, vector<1264x128xf32> -> vector<1264x128xf32>
    %swap3A = arith.constant 0 : index
    %swap3A_29 = arith.constant 0 : index
    %swap3A_30 = vector.load %arg5[%swap3A, %swap3A_29] : memref<1264x128xf32, #tpu.memory_space<vmem>>, vector<1264x128xf32>
    tpu.vector_store %arg5[%swap3A, %swap3A_29], %dot_general3A_28 {strides = array<i32>} : memref<1264x128xf32, #tpu.memory_space<vmem>>, vector<1264x128xf32>,
    %mul3A_31 = arith.mulf %get3A_1, %dot_general3A_28 : vector<1264x128xf32>
    %swap3A_32 = arith.constant 0 : index
    %swap3A_33 = arith.constant 0 : index
    %swap3A_34 = vector.load %arg6[%swap3A_32, %swap3A_33] : memref<1264x128xf32, #tpu.memory_space<vmem>>, vector<1264x128xf32>
    tpu.vector_store %arg6[%swap3A_32, %swap3A_33], %mul3A_31 {strides = array<i32>} : memref<1264x128xf32, #tpu.memory_space<vmem>>, vector<1264x128xf32>,
    return
  }
}

module attributes {stable_mosaic.version = 14 : i64} {
  func.func @_tc3_body(%arg0: memref<2x1264x128xf32, #tpu.memory_space<vmem>>, %arg1: memref<1264x128xf32, #tpu.memory_space<vmem>>, %arg2: memref<1264x128xf32, #tpu.memory_space<vmem>>, %arg3: memref<1x128xf32, #tpu.memory_space<vmem>>, %arg4: memref<8x1250xi32, #tpu.memory_space<vmem>>, %arg5: memref<16x1xf32, #tpu.memory_space<vmem>>, %arg6: memref<1x1xf32, #tpu.memory_space<vmem>>, %arg7: memref<64x1xf32, #tpu.memory_space<vmem>>) attributes {dimension_semantics = [], scalar_prefetch = 0 : i64, scratch_operands = 0 : i64, tpu.core_type = #tpu.core_type<tc>} {
    %get3A = arith.constant 0 : index
    %get3A_0 = arith.constant 0 : index
    %get3A_1 = vector.load %arg2[%get3A, %get3A_0] : memref<1264x128xf32, #tpu.memory_space<vmem>>, vector<1264x128xf32>
    %get3A_2 = arith.constant 0 : index
    %get3A_3 = arith.constant 0 : index
    %get3A_4 = arith.constant 0 : index
    %get3A_5 = vector.load %arg0[%get3A_2, %get3A_3, %get3A_4] : memref<2x1264x128xf32, #tpu.memory_space<vmem>>, vector<1x1264x128xf32>
    %get3A_6 = vector.shape_cast %get3A_5 : vector<1x1264x128xf32> to vector<1264x128xf32>
    %get3A_7 = arith.constant 1 : index
    %get3A_8 = arith.constant 0 : index
    %get3A_9 = arith.constant 0 : index
    %get3A_10 = vector.load %arg0[%get3A_7, %get3A_8, %get3A_9] : memref<2x1264x128xf32, #tpu.memory_space<vmem>>, vector<1x1264x128xf32>
    %get3A_11 = vector.shape_cast %get3A_10 : vector<1x1264x128xf32> to vector<1264x128xf32>
    %add3A = arith.addf %get3A_6, %get3A_11 : vector<1264x128xf32>
    %mul3A = arith.mulf %get3A_1, %add3A : vector<1264x128xf32>
    %mul3A_12 = arith.mulf %get3A_1, %get3A_1 : vector<1264x128xf32>
    %get3A_13 = arith.constant 0 : index
    %get3A_14 = arith.constant 0 : index
    %get3A_15 = vector.load %arg1[%get3A_13, %get3A_14] : memref<1264x128xf32, #tpu.memory_space<vmem>>, vector<1264x128xf32>
    %mul3A_16 = arith.mulf %mul3A_12, %get3A_15 : vector<1264x128xf32>
    %add3A_17 = arith.addf %mul3A, %mul3A_16 : vector<1264x128xf32>
    %get3A_18 = arith.constant 0 : index
    %get3A_19 = arith.constant 0 : index
    %get3A_20 = vector.load %arg3[%get3A_18, %get3A_19] : memref<1x128xf32, #tpu.memory_space<vmem>>, vector<1x128xf32>
    %add3A_21 = vector.broadcast %get3A_20 : vector<1x128xf32> to vector<1264x128xf32>
    %add3A_22 = arith.addf %add3A_17, %add3A_21 : vector<1264x128xf32>
    %slice3A = vector.extract_strided_slice %add3A_22 {offsets = [0, 0], sizes = [1250, 128], strides = [1, 1]} : vector<1264x128xf32> to vector<1250x128xf32>
    %iota3A = tpu.iota {dimensions = array<i32: 1>} : vector<1x64xi32>
    %broadcast_in_dim3A = arith.constant 1.000000e+00 : f32
    %broadcast_in_dim3A_23 = vector.broadcast %broadcast_in_dim3A : f32 to vector<1250x1xf32>
    %broadcast_in_dim3A_24 = arith.constant 0.000000e+00 : f32
    %broadcast_in_dim3A_25 = vector.broadcast %broadcast_in_dim3A_24 : f32 to vector<64x16xf32>
    %broadcast_in_dim3A_26 = arith.constant 0.000000e+00 : f32
    %broadcast_in_dim3A_27 = vector.broadcast %broadcast_in_dim3A_26 : f32 to vector<64x1xf32>
    %get3A_28 = arith.constant 0 : index
    %get3A_29 = arith.constant 0 : index
    %get3A_30 = vector.load %arg4[%get3A_28, %get3A_29] : memref<8x1250xi32, #tpu.memory_space<vmem>>, vector<1x1250xi32>
    %get3A_31 = vector.shape_cast %get3A_30 : vector<1x1250xi32> to vector<1250xi32>
    %broadcast_in_dim3A_32 = vector.shape_cast %get3A_31 : vector<1250xi32> to vector<1250x1xi32>
    %eq3A = vector.broadcast %broadcast_in_dim3A_32 : vector<1250x1xi32> to vector<1250x64xi32>
    %eq3A_33 = vector.broadcast %iota3A : vector<1x64xi32> to vector<1250x64xi32>
    %eq3A_34 = arith.cmpi eq, %eq3A, %eq3A_33 : vector<1250x64xi32>
    %convert_element_type3A = arith.extui %eq3A_34 : vector<1250x64xi1> to vector<1250x64xi32>
    %convert_element_type3A_35 = arith.sitofp %convert_element_type3A : vector<1250x64xi32> to vector<1250x64xf32>
    %dot_general3A = arith.constant dense<0.000000e+00> : vector<64x128xf32>
    %dot_general3A_36 = tpu.matmul %convert_element_type3A_35, %slice3A, %dot_general3A {dimension_numbers = #tpu.dot_dimension_numbers<[0], [0], [1], [1], [0, 1, 1, 1], [], []>, transpose_lhs_hint = false} : vector<1250x64xf32>, vector<1250x128xf32>, vector<64x128xf32> -> vector<64x128xf32>
    %slice3A_37 = vector.extract_strided_slice %dot_general3A_36 {offsets = [0, 0], sizes = [64, 16], strides = [1, 1]} : vector<64x128xf32> to vector<64x16xf32>
    %add3A_38 = arith.addf %broadcast_in_dim3A_25, %slice3A_37 : vector<64x16xf32>
    %dot_general3A_39 = arith.constant dense<0.000000e+00> : vector<64x1xf32>
    %dot_general3A_40 = tpu.matmul %convert_element_type3A_35, %broadcast_in_dim3A_23, %dot_general3A_39 {dimension_numbers = #tpu.dot_dimension_numbers<[0], [0], [1], [1], [0, 1, 1, 1], [], []>, transpose_lhs_hint = false} : vector<1250x64xf32>, vector<1250x1xf32>, vector<64x1xf32> -> vector<64x1xf32>
    %add3A_41 = arith.addf %broadcast_in_dim3A_27, %dot_general3A_40 : vector<64x1xf32>
    %get3A_42 = arith.constant 1 : index
    %get3A_43 = arith.constant 0 : index
    %get3A_44 = vector.load %arg4[%get3A_42, %get3A_43] : memref<8x1250xi32, #tpu.memory_space<vmem>>, vector<1x1250xi32>
    %get3A_45 = vector.shape_cast %get3A_44 : vector<1x1250xi32> to vector<1250xi32>
    %broadcast_in_dim3A_46 = vector.shape_cast %get3A_45 : vector<1250xi32> to vector<1250x1xi32>
    %eq3A_47 = vector.broadcast %broadcast_in_dim3A_46 : vector<1250x1xi32> to vector<1250x64xi32>
    %eq3A_48 = vector.broadcast %iota3A : vector<1x64xi32> to vector<1250x64xi32>
    %eq3A_49 = arith.cmpi eq, %eq3A_47, %eq3A_48 : vector<1250x64xi32>
    %convert_element_type3A_50 = arith.extui %eq3A_49 : vector<1250x64xi1> to vector<1250x64xi32>
    %convert_element_type3A_51 = arith.sitofp %convert_element_type3A_50 : vector<1250x64xi32> to vector<1250x64xf32>
    %dot_general3A_52 = arith.constant dense<0.000000e+00> : vector<64x128xf32>
    %dot_general3A_53 = tpu.matmul %convert_element_type3A_51, %slice3A, %dot_general3A_52 {dimension_numbers = #tpu.dot_dimension_numbers<[0], [0], [1], [1], [0, 1, 1, 1], [], []>, transpose_lhs_hint = false} : vector<1250x64xf32>, vector<1250x128xf32>, vector<64x128xf32> -> vector<64x128xf32>
    %slice3A_54 = vector.extract_strided_slice %dot_general3A_53 {offsets = [0, 16], sizes = [64, 16], strides = [1, 1]} : vector<64x128xf32> to vector<64x16xf32>
    %add3A_55 = arith.addf %add3A_38, %slice3A_54 : vector<64x16xf32>
    %dot_general3A_56 = arith.constant dense<0.000000e+00> : vector<64x1xf32>
    %dot_general3A_57 = tpu.matmul %convert_element_type3A_51, %broadcast_in_dim3A_23, %dot_general3A_56 {dimension_numbers = #tpu.dot_dimension_numbers<[0], [0], [1], [1], [0, 1, 1, 1], [], []>, transpose_lhs_hint = false} : vector<1250x64xf32>, vector<1250x1xf32>, vector<64x1xf32> -> vector<64x1xf32>
    %add3A_58 = arith.addf %add3A_41, %dot_general3A_57 : vector<64x1xf32>
    %get3A_59 = arith.constant 2 : index
    %get3A_60 = arith.constant 0 : index
    %get3A_61 = vector.load %arg4[%get3A_59, %get3A_60] : memref<8x1250xi32, #tpu.memory_space<vmem>>, vector<1x1250xi32>
    %get3A_62 = vector.shape_cast %get3A_61 : vector<1x1250xi32> to vector<1250xi32>
    %broadcast_in_dim3A_63 = vector.shape_cast %get3A_62 : vector<1250xi32> to vector<1250x1xi32>
    %eq3A_64 = vector.broadcast %broadcast_in_dim3A_63 : vector<1250x1xi32> to vector<1250x64xi32>
    %eq3A_65 = vector.broadcast %iota3A : vector<1x64xi32> to vector<1250x64xi32>
    %eq3A_66 = arith.cmpi eq, %eq3A_64, %eq3A_65 : vector<1250x64xi32>
    %convert_element_type3A_67 = arith.extui %eq3A_66 : vector<1250x64xi1> to vector<1250x64xi32>
    %convert_element_type3A_68 = arith.sitofp %convert_element_type3A_67 : vector<1250x64xi32> to vector<1250x64xf32>
    %dot_general3A_69 = arith.constant dense<0.000000e+00> : vector<64x128xf32>
    %dot_general3A_70 = tpu.matmul %convert_element_type3A_68, %slice3A, %dot_general3A_69 {dimension_numbers = #tpu.dot_dimension_numbers<[0], [0], [1], [1], [0, 1, 1, 1], [], []>, transpose_lhs_hint = false} : vector<1250x64xf32>, vector<1250x128xf32>, vector<64x128xf32> -> vector<64x128xf32>
    %slice3A_71 = vector.extract_strided_slice %dot_general3A_70 {offsets = [0, 32], sizes = [64, 16], strides = [1, 1]} : vector<64x128xf32> to vector<64x16xf32>
    %add3A_72 = arith.addf %add3A_55, %slice3A_71 : vector<64x16xf32>
    %dot_general3A_73 = arith.constant dense<0.000000e+00> : vector<64x1xf32>
    %dot_general3A_74 = tpu.matmul %convert_element_type3A_68, %broadcast_in_dim3A_23, %dot_general3A_73 {dimension_numbers = #tpu.dot_dimension_numbers<[0], [0], [1], [1], [0, 1, 1, 1], [], []>, transpose_lhs_hint = false} : vector<1250x64xf32>, vector<1250x1xf32>, vector<64x1xf32> -> vector<64x1xf32>
    %add3A_75 = arith.addf %add3A_58, %dot_general3A_74 : vector<64x1xf32>
    %get3A_76 = arith.constant 3 : index
    %get3A_77 = arith.constant 0 : index
    %get3A_78 = vector.load %arg4[%get3A_76, %get3A_77] : memref<8x1250xi32, #tpu.memory_space<vmem>>, vector<1x1250xi32>
    %get3A_79 = vector.shape_cast %get3A_78 : vector<1x1250xi32> to vector<1250xi32>
    %broadcast_in_dim3A_80 = vector.shape_cast %get3A_79 : vector<1250xi32> to vector<1250x1xi32>
    %eq3A_81 = vector.broadcast %broadcast_in_dim3A_80 : vector<1250x1xi32> to vector<1250x64xi32>
    %eq3A_82 = vector.broadcast %iota3A : vector<1x64xi32> to vector<1250x64xi32>
    %eq3A_83 = arith.cmpi eq, %eq3A_81, %eq3A_82 : vector<1250x64xi32>
    %convert_element_type3A_84 = arith.extui %eq3A_83 : vector<1250x64xi1> to vector<1250x64xi32>
    %convert_element_type3A_85 = arith.sitofp %convert_element_type3A_84 : vector<1250x64xi32> to vector<1250x64xf32>
    %dot_general3A_86 = arith.constant dense<0.000000e+00> : vector<64x128xf32>
    %dot_general3A_87 = tpu.matmul %convert_element_type3A_85, %slice3A, %dot_general3A_86 {dimension_numbers = #tpu.dot_dimension_numbers<[0], [0], [1], [1], [0, 1, 1, 1], [], []>, transpose_lhs_hint = false} : vector<1250x64xf32>, vector<1250x128xf32>, vector<64x128xf32> -> vector<64x128xf32>
    %slice3A_88 = vector.extract_strided_slice %dot_general3A_87 {offsets = [0, 48], sizes = [64, 16], strides = [1, 1]} : vector<64x128xf32> to vector<64x16xf32>
    %add3A_89 = arith.addf %add3A_72, %slice3A_88 : vector<64x16xf32>
    %dot_general3A_90 = arith.constant dense<0.000000e+00> : vector<64x1xf32>
    %dot_general3A_91 = tpu.matmul %convert_element_type3A_85, %broadcast_in_dim3A_23, %dot_general3A_90 {dimension_numbers = #tpu.dot_dimension_numbers<[0], [0], [1], [1], [0, 1, 1, 1], [], []>, transpose_lhs_hint = false} : vector<1250x64xf32>, vector<1250x1xf32>, vector<64x1xf32> -> vector<64x1xf32>
    %add3A_92 = arith.addf %add3A_75, %dot_general3A_91 : vector<64x1xf32>
    %get3A_93 = arith.constant 4 : index
    %get3A_94 = arith.constant 0 : index
    %get3A_95 = vector.load %arg4[%get3A_93, %get3A_94] : memref<8x1250xi32, #tpu.memory_space<vmem>>, vector<1x1250xi32>
    %get3A_96 = vector.shape_cast %get3A_95 : vector<1x1250xi32> to vector<1250xi32>
    %broadcast_in_dim3A_97 = vector.shape_cast %get3A_96 : vector<1250xi32> to vector<1250x1xi32>
    %eq3A_98 = vector.broadcast %broadcast_in_dim3A_97 : vector<1250x1xi32> to vector<1250x64xi32>
    %eq3A_99 = vector.broadcast %iota3A : vector<1x64xi32> to vector<1250x64xi32>
    %eq3A_100 = arith.cmpi eq, %eq3A_98, %eq3A_99 : vector<1250x64xi32>
    %convert_element_type3A_101 = arith.extui %eq3A_100 : vector<1250x64xi1> to vector<1250x64xi32>
    %convert_element_type3A_102 = arith.sitofp %convert_element_type3A_101 : vector<1250x64xi32> to vector<1250x64xf32>
    %dot_general3A_103 = arith.constant dense<0.000000e+00> : vector<64x128xf32>
    %dot_general3A_104 = tpu.matmul %convert_element_type3A_102, %slice3A, %dot_general3A_103 {dimension_numbers = #tpu.dot_dimension_numbers<[0], [0], [1], [1], [0, 1, 1, 1], [], []>, transpose_lhs_hint = false} : vector<1250x64xf32>, vector<1250x128xf32>, vector<64x128xf32> -> vector<64x128xf32>
    %slice3A_105 = vector.extract_strided_slice %dot_general3A_104 {offsets = [0, 64], sizes = [64, 16], strides = [1, 1]} : vector<64x128xf32> to vector<64x16xf32>
    %add3A_106 = arith.addf %add3A_89, %slice3A_105 : vector<64x16xf32>
    %dot_general3A_107 = arith.constant dense<0.000000e+00> : vector<64x1xf32>
    %dot_general3A_108 = tpu.matmul %convert_element_type3A_102, %broadcast_in_dim3A_23, %dot_general3A_107 {dimension_numbers = #tpu.dot_dimension_numbers<[0], [0], [1], [1], [0, 1, 1, 1], [], []>, transpose_lhs_hint = false} : vector<1250x64xf32>, vector<1250x1xf32>, vector<64x1xf32> -> vector<64x1xf32>
    %add3A_109 = arith.addf %add3A_92, %dot_general3A_108 : vector<64x1xf32>
    %get3A_110 = arith.constant 5 : index
    %get3A_111 = arith.constant 0 : index
    %get3A_112 = vector.load %arg4[%get3A_110, %get3A_111] : memref<8x1250xi32, #tpu.memory_space<vmem>>, vector<1x1250xi32>
    %get3A_113 = vector.shape_cast %get3A_112 : vector<1x1250xi32> to vector<1250xi32>
    %broadcast_in_dim3A_114 = vector.shape_cast %get3A_113 : vector<1250xi32> to vector<1250x1xi32>
    %eq3A_115 = vector.broadcast %broadcast_in_dim3A_114 : vector<1250x1xi32> to vector<1250x64xi32>
    %eq3A_116 = vector.broadcast %iota3A : vector<1x64xi32> to vector<1250x64xi32>
    %eq3A_117 = arith.cmpi eq, %eq3A_115, %eq3A_116 : vector<1250x64xi32>
    %convert_element_type3A_118 = arith.extui %eq3A_117 : vector<1250x64xi1> to vector<1250x64xi32>
    %convert_element_type3A_119 = arith.sitofp %convert_element_type3A_118 : vector<1250x64xi32> to vector<1250x64xf32>
    %dot_general3A_120 = arith.constant dense<0.000000e+00> : vector<64x128xf32>
    %dot_general3A_121 = tpu.matmul %convert_element_type3A_119, %slice3A, %dot_general3A_120 {dimension_numbers = #tpu.dot_dimension_numbers<[0], [0], [1], [1], [0, 1, 1, 1], [], []>, transpose_lhs_hint = false} : vector<1250x64xf32>, vector<1250x128xf32>, vector<64x128xf32> -> vector<64x128xf32>
    %slice3A_122 = vector.extract_strided_slice %dot_general3A_121 {offsets = [0, 80], sizes = [64, 16], strides = [1, 1]} : vector<64x128xf32> to vector<64x16xf32>
    %add3A_123 = arith.addf %add3A_106, %slice3A_122 : vector<64x16xf32>
    %dot_general3A_124 = arith.constant dense<0.000000e+00> : vector<64x1xf32>
    %dot_general3A_125 = tpu.matmul %convert_element_type3A_119, %broadcast_in_dim3A_23, %dot_general3A_124 {dimension_numbers = #tpu.dot_dimension_numbers<[0], [0], [1], [1], [0, 1, 1, 1], [], []>, transpose_lhs_hint = false} : vector<1250x64xf32>, vector<1250x1xf32>, vector<64x1xf32> -> vector<64x1xf32>
    %add3A_126 = arith.addf %add3A_109, %dot_general3A_125 : vector<64x1xf32>
    %get3A_127 = arith.constant 6 : index
    %get3A_128 = arith.constant 0 : index
    %get3A_129 = vector.load %arg4[%get3A_127, %get3A_128] : memref<8x1250xi32, #tpu.memory_space<vmem>>, vector<1x1250xi32>
    %get3A_130 = vector.shape_cast %get3A_129 : vector<1x1250xi32> to vector<1250xi32>
    %broadcast_in_dim3A_131 = vector.shape_cast %get3A_130 : vector<1250xi32> to vector<1250x1xi32>
    %eq3A_132 = vector.broadcast %broadcast_in_dim3A_131 : vector<1250x1xi32> to vector<1250x64xi32>
    %eq3A_133 = vector.broadcast %iota3A : vector<1x64xi32> to vector<1250x64xi32>
    %eq3A_134 = arith.cmpi eq, %eq3A_132, %eq3A_133 : vector<1250x64xi32>
    %convert_element_type3A_135 = arith.extui %eq3A_134 : vector<1250x64xi1> to vector<1250x64xi32>
    %convert_element_type3A_136 = arith.sitofp %convert_element_type3A_135 : vector<1250x64xi32> to vector<1250x64xf32>
    %dot_general3A_137 = arith.constant dense<0.000000e+00> : vector<64x128xf32>
    %dot_general3A_138 = tpu.matmul %convert_element_type3A_136, %slice3A, %dot_general3A_137 {dimension_numbers = #tpu.dot_dimension_numbers<[0], [0], [1], [1], [0, 1, 1, 1], [], []>, transpose_lhs_hint = false} : vector<1250x64xf32>, vector<1250x128xf32>, vector<64x128xf32> -> vector<64x128xf32>
    %slice3A_139 = vector.extract_strided_slice %dot_general3A_138 {offsets = [0, 96], sizes = [64, 16], strides = [1, 1]} : vector<64x128xf32> to vector<64x16xf32>
    %add3A_140 = arith.addf %add3A_123, %slice3A_139 : vector<64x16xf32>
    %dot_general3A_141 = arith.constant dense<0.000000e+00> : vector<64x1xf32>
    %dot_general3A_142 = tpu.matmul %convert_element_type3A_136, %broadcast_in_dim3A_23, %dot_general3A_141 {dimension_numbers = #tpu.dot_dimension_numbers<[0], [0], [1], [1], [0, 1, 1, 1], [], []>, transpose_lhs_hint = false} : vector<1250x64xf32>, vector<1250x1xf32>, vector<64x1xf32> -> vector<64x1xf32>
    %add3A_143 = arith.addf %add3A_126, %dot_general3A_142 : vector<64x1xf32>
    %get3A_144 = arith.constant 7 : index
    %get3A_145 = arith.constant 0 : index
    %get3A_146 = vector.load %arg4[%get3A_144, %get3A_145] : memref<8x1250xi32, #tpu.memory_space<vmem>>, vector<1x1250xi32>
    %get3A_147 = vector.shape_cast %get3A_146 : vector<1x1250xi32> to vector<1250xi32>
    %broadcast_in_dim3A_148 = vector.shape_cast %get3A_147 : vector<1250xi32> to vector<1250x1xi32>
    %eq3A_149 = vector.broadcast %broadcast_in_dim3A_148 : vector<1250x1xi32> to vector<1250x64xi32>
    %eq3A_150 = vector.broadcast %iota3A : vector<1x64xi32> to vector<1250x64xi32>
    %eq3A_151 = arith.cmpi eq, %eq3A_149, %eq3A_150 : vector<1250x64xi32>
    %convert_element_type3A_152 = arith.extui %eq3A_151 : vector<1250x64xi1> to vector<1250x64xi32>
    %convert_element_type3A_153 = arith.sitofp %convert_element_type3A_152 : vector<1250x64xi32> to vector<1250x64xf32>
    %dot_general3A_154 = arith.constant dense<0.000000e+00> : vector<64x128xf32>
    %dot_general3A_155 = tpu.matmul %convert_element_type3A_153, %slice3A, %dot_general3A_154 {dimension_numbers = #tpu.dot_dimension_numbers<[0], [0], [1], [1], [0, 1, 1, 1], [], []>, transpose_lhs_hint = false} : vector<1250x64xf32>, vector<1250x128xf32>, vector<64x128xf32> -> vector<64x128xf32>
    %slice3A_156 = vector.extract_strided_slice %dot_general3A_155 {offsets = [0, 112], sizes = [64, 16], strides = [1, 1]} : vector<64x128xf32> to vector<64x16xf32>
    %add3A_157 = arith.addf %add3A_140, %slice3A_156 : vector<64x16xf32>
    %dot_general3A_158 = arith.constant dense<0.000000e+00> : vector<64x1xf32>
    %dot_general3A_159 = tpu.matmul %convert_element_type3A_153, %broadcast_in_dim3A_23, %dot_general3A_158 {dimension_numbers = #tpu.dot_dimension_numbers<[0], [0], [1], [1], [0, 1, 1, 1], [], []>, transpose_lhs_hint = false} : vector<1250x64xf32>, vector<1250x1xf32>, vector<64x1xf32> -> vector<64x1xf32>
    %add3A_160 = arith.addf %add3A_143, %dot_general3A_159 : vector<64x1xf32>
    %max3A = arith.constant 1.000000e+00 : f32
    %max3A_161 = vector.broadcast %max3A : f32 to vector<64x1xf32>
    %max3A_162 = arith.maximumf %add3A_160, %max3A_161 : vector<64x1xf32>
    %div3A = vector.broadcast %max3A_162 : vector<64x1xf32> to vector<64x16xf32>
    %div3A_163 = arith.divf %add3A_157, %div3A : vector<64x16xf32>
    %get3A_164 = arith.constant 0 : index
    %get3A_165 = arith.constant 0 : index
    %get3A_166 = vector.load %arg5[%get3A_164, %get3A_165] : memref<16x1xf32, #tpu.memory_space<vmem>>, vector<16x1xf32>
    %dot_general3A_167 = arith.constant dense<0.000000e+00> : vector<64x1xf32>
    %dot_general3A_168 = tpu.matmul %div3A_163, %get3A_166, %dot_general3A_167 {dimension_numbers = #tpu.dot_dimension_numbers<[1], [0], [0], [1], [0, 0, 1, 1], [], []>, transpose_lhs_hint = false} : vector<64x16xf32>, vector<16x1xf32>, vector<64x1xf32> -> vector<64x1xf32>
    %get3A_169 = arith.constant 0 : index
    %get3A_170 = arith.constant 0 : index
    %get3A_171 = vector.load %arg6[%get3A_169, %get3A_170] : memref<1x1xf32, #tpu.memory_space<vmem>>, vector<1x1xf32>
    %add3A_172 = vector.broadcast %get3A_171 : vector<1x1xf32> to vector<64x1xf32>
    %add3A_173 = arith.addf %dot_general3A_168, %add3A_172 : vector<64x1xf32>
    %swap3A = arith.constant 0 : index
    %swap3A_174 = arith.constant 0 : index
    %swap3A_175 = vector.load %arg7[%swap3A, %swap3A_174] : memref<64x1xf32, #tpu.memory_space<vmem>>, vector<64x1xf32>
    tpu.vector_store %arg7[%swap3A, %swap3A_174], %add3A_173 {strides = array<i32>} : memref<64x1xf32, #tpu.memory_space<vmem>>, vector<64x1xf32>,
    return
  }
}

</mosaic_0001>

<sc_bundles>
// kernel: kernel.11.cloned.1.call-start
scs
__scs_entry_jumppad:
0x0: {  	(pc) =	sbr.rel $0x88, $3  }
0x1: {  	(tag) =	ssettag $0x0;
	lr =	simm.s32 $0x1  }
0x2: {  	[smem:$0x3F98] =	sst lr;
	_ =	strace $0xD0000000  }
0x3: {  	_ = 	snop  }
0x4: {  	_ = 	snop  }
0x5: {  	_ = 	snop  }
0x6: {  	_ = 	snop  }
0x7: {  	_ = 	snop  }
__scs_overlays_trampoline_lowered:
0x8: {  	[smem:$0x3FA7] =	sst s0  }
0x9: {  	[smem:$0x3FA8] =	sst s1  }
0xa: {  	[smem:$0x3FA9] =	sst s2  }
0xb: {  	[smem:$0x3FAA] =	sst s3  }
0xc: {  	[smem:$0x3FAB] =	sst s4  }
0xd: {  	[smem:$0x3FAC] =	sst s5  }
0xe: {  	[smem:$0x3FAD] =	sst s6  }
0xf: {  	[smem:$0x3FAE] =	sst s7  }
0x10: {  	[smem:$0x3FAF] =	sst s8  }
0x11: {  	[smem:$0x3FB0] =	sst s9;
	s0 =	simm.s32 @!p0 $0x0  }
0x12: {  	s1 =	sld [smem:$0x3F96];
	s0 =	simm.s32 @p0 $0x1  }
0x13: {  	[smem:$0x3FB1] =	sst s0;
	s0 =	simm.s32 @!p1 $0x0  }
0x14: {  	s2 =	sld [smem:$0x3F95];
	s0 =	simm.s32 @p1 $0x1  }
0x15: {  	[smem:$0x3FB2] =	sst s0;
	s0 =	simm.s32 @!p2 $0x0  }
0x16: {  	s3 =	sld [smem:$0x3FDB];
	s0 =	simm.s32 @p2 $0x1  }
0x17: {  	s4 =	simm.s32 $0x1BF5;
	[smem:$0x3FB4] =	sst s0  }
0x18: {  	s0 =	sld [smem:$0x3F97];
	_ =	swait.ge [sflag:s4], $0x0  }
0x19: {  	s7 =	sld [smem:$0x3F98]  }
0x1a: {  	s8 =	sadd.s32 $0xFFFFE003, lr  }
0x1b: {  	s9 =	sadd.s32 $0xFFFFFEF7, lr;
	s5 =	simm.s32 $0xFFFFFFFF;
	p2 =	slt.u32 s8, $0xFFFFF086  }
0x1c: {  	p1 =	slt.u32 s9, $0xF7A;
	s5 =	simm.s32 @!p2 $0x0  }
0x1d: {  	s5 =	simm.s32 @p1 $0x1;
	p0 =	seq.s32 s7, s2  }
0x1e: {  	s7 =	smul.u32 @!p0 $0xF7A, s2;
	p2 =	seq.s32 @!p0 s5, $0x0  }
0x1f: {  	s9 =	smul.u32 $0xF7A, s1;
	s8 =	simm.s32 @!p0 $0x1BF5;
	p2 =	por !p2, p0  }
0x20: {  	[sflag:s8] =	ssyncset.s32 @!p0 $0xFFFFF086;
	s6 =	sadd.s32 @!p0 s3, s7;
	s7 =	simm.s32 @!p0 $0x108  }
0x21: {  	s3 =	sadd.s32 s3, s9;
	s6 =	sadd.s32 @!p0 $0x88, s6;
	s7 =	simm.s32 @p2 $0x1082  }
0x22: {  	[simem:s7], [sflag:s8] =	dma.local @!p0 [hbm:s6], $0xF7A  }
0x23: {  	s9 =	sor.u32 $0xD0000000, s2;
	s6 =	simm.s32 $0x108;
	_ =	swait.ge @!p0 [sflag:s8], $0x0  }
0x24: {  	s3 =	sadd.s32 $0x88, s3;
	s6 =	simm.s32 @!p1 $0x1082;
	[sflag:s4] =	ssyncset.s32 $0xFFFFF086  }
0x25: {  	[simem:s6], [sflag:s4] =	dma.local [hbm:s3], $0xF7A  }
0x26: {  	[smem:$0x3F98] =	sst s1;
	(tag) =	ssettag s2;
	_ =	strace s9  }
0x27: {  	s1 =	sld [smem:$0x3FA8]  }
0x28: {  	s2 =	sld [smem:$0x3FA9]  }
0x29: {  	s4 =	sld [smem:$0x3FAB]  }
0x2a: {  	p0 =	seq.s32 s5, $0x0;
	s5 =	sld [smem:$0x3FAC]  }
0x2b: {  	s6 =	sld [smem:$0x3FAD]  }
0x2c: {  	s7 =	sld [smem:$0x3FAE]  }
0x2d: {  	s3 =	simm.s32 $0x108;
	s8 =	sld [smem:$0x3FAF]  }
0x2e: {  	s3 =	simm.s32 @!p0 $0x1082;
	s9 =	sld [smem:$0x3FB0]  }
0x2f: {  	lr =	sadd.s32 s0, s3;
	s0 =	sld [smem:$0x3FA7]  }
0x30: {  	s3 =	sld [smem:$0x3FAA]  }
0x31: {  	[smem:$0x3FB3] =	sst s10  }
0x32: {  	s10 =	sld [smem:$0x3FB1];
	_ =	sdelay $0x3  }
0x33: {  	p0 =	seq.s32 s10, $0x1;
	s10 =	sld [smem:$0x3FB3];
	_ =	sdelay $0x3  }
0x34: {  	[smem:$0x3FB3] =	sst s10  }
0x35: {  	s10 =	sld [smem:$0x3FB2];
	_ =	sdelay $0x3  }
0x36: {  	p1 =	seq.s32 s10, $0x1;
	s10 =	sld [smem:$0x3FB3];
	_ =	sdelay $0x3  }
0x37: {  	[smem:$0x3FB3] =	sst s10  }
0x38: {  	s10 =	sld [smem:$0x3FB4]  }
0x39: {  	_ = 	snop;
	(pc) =	sbr.ind lr, $3  }
0x3a: {  	_ = 	snop  }
0x3b: {  	_ = 	snop  }
0x3c: {  	p2 =	seq.s32 s10, $0x1;
	s10 =	sld [smem:$0x3FB3]  }
0x3d: {  	_ =	shalt  }
0x3e: {  	_ =	shalt  }
0x3f: {  	_ =	shalt  }
0x40: {  	_ =	shalt  }
0x41: {  	_ =	shalt  }
0x42: {  	_ =	shalt  }
0x43: {  	_ =	shalt  }
0x44: {  	_ =	shalt  }
0x45: {  	_ =	shalt  }
0x46: {  	_ =	shalt  }
0x47: {  	_ =	shalt  }
0x48: {  	_ =	shalt  }
0x49: {  	_ =	shalt  }
0x4a: {  	_ =	shalt  }
0x4b: {  	_ =	shalt  }
0x4c: {  	_ =	shalt  }
0x4d: {  	_ =	shalt  }
0x4e: {  	_ =	shalt  }
0x4f: {  	_ =	shalt  }
0x50: {  	_ =	shalt  }
0x51: {  	_ =	shalt  }
0x52: {  	_ =	shalt  }
0x53: {  	_ =	shalt  }
0x54: {  	_ =	shalt  }
0x55: {  	_ =	shalt  }
0x56: {  	_ =	shalt  }
0x57: {  	_ =	shalt  }
0x58: {  	_ =	shalt  }
0x59: {  	_ =	shalt  }
0x5a: {  	_ =	shalt  }
0x5b: {  	_ =	shalt  }
0x5c: {  	_ =	shalt  }
0x5d: {  	_ =	shalt  }
0x5e: {  	_ =	shalt  }
0x5f: {  	_ =	shalt  }
0x60: {  	_ =	shalt  }
0x61: {  	_ =	shalt  }
0x62: {  	_ =	shalt  }
0x63: {  	_ =	shalt  }
0x64: {  	_ =	shalt  }
0x65: {  	_ =	shalt  }
0x66: {  	_ =	shalt  }
0x67: {  	_ =	shalt  }
0x68: {  	_ =	shalt  }
0x69: {  	_ =	shalt  }
0x6a: {  	_ =	shalt  }
0x6b: {  	_ =	shalt  }
0x6c: {  	_ =	shalt  }
0x6d: {  	_ =	shalt  }
0x6e: {  	_ =	shalt  }
0x6f: {  	_ =	shalt  }
0x70: {  	_ =	shalt  }
0x71: {  	_ =	shalt  }
0x72: {  	_ =	shalt  }
0x73: {  	_ =	shalt  }
0x74: {  	_ =	shalt  }
0x75: {  	_ =	shalt  }
0x76: {  	_ =	shalt  }
0x77: {  	_ =	shalt  }
0x78: {  	_ =	shalt  }
0x79: {  	_ =	shalt  }
0x7a: {  	_ =	shalt  }
0x7b: {  	_ =	shalt  }
0x7c: {  	_ =	shalt  }
0x7d: {  	_ =	shalt  }
0x7e: {  	_ =	shalt  }
0x7f: {  	_ =	shalt  }
0x80: {  	_ =	shalt  }
0x81: {  	_ =	shalt  }
0x82: {  	_ =	shalt  }
0x83: {  	_ =	shalt  }
0x84: {  	_ =	shalt  }
0x85: {  	_ =	shalt  }
0x86: {  	_ =	shalt  }
0x87: {  	_ =	shalt  }
.Lfunc_end0:
.L_simem_size_0:
called_computation.1_lowered:
.L_overlay_start_0:
0x88: {  	s2 =	sld [smem:$0x3FD9]  }
0x89: {  	s3 =	sld [smem:$0x3FFE];
	_ =	sdelay $0x1  }
0x8a: {  	s1 =	srdreg.scid  }
0x8b: {  	s0 =	sand.u32 $0x1, s1  }
0x8c: {  	s16 =	sshll.u32 s0, $0xA;
	s2 =	sadd.s32 s3, s2  }
0x8d: {  	s2 =	sadd.s32 s2, s16  }
0x8e: {  	[smem:$0x3FBF] =	sst s2  }
0x8f: {  	_ = 	snop  }
0x90: {  	(tm) =	ssettm $0x1  }
0x91: {  	s17 =	sld [smem:$0x3FFB];
	_ =	sdelay $0x3  }
0x92: {  	_ =	strace s17  }
0x93: {  	s2 =	sld [smem:$0x3FFC];
	_ =	sdelay $0x3  }
0x94: {  	_ =	strace s2  }
0x95: {  	s2 =	sld [smem:$0x3FFD];
	_ =	sdelay $0x3  }
0x96: {  	_ =	strace s2  }
0x97: {  	_ =	strace $0x8FFFFFFF  }
0x98: {  	s18 =	sld [smem:$0x3FDB];
	_ =	sdelay $0x1  }
0x99: {  	s19 =	simm.s32 $_scs_section_size  }
0x9a: {  	s4 =	simm.s32 $_size__tile_overlayer_lowered;
	s5 =	simm.s32 $_tile_overlayer_lowered  }
0x9b: {  	s22 =	simm.s32 $0x1BFF;
	s21 =	sshll.u32 s5, $0x1;
	s2 =	sadd.s32 s19, s18  }
0x9c: {  	s6 =	simm.s32 $0x0;
	s20 =	sshll.u32 s4, $0x1;
	s4 =	sadd.s32 s21, s2  }
0x9d: {  	[timem:s6], [sflag:s22] =	dma.local [hbm:s4], s20  }
0x9e: {  	_ =	swait.ge [sflag:s22], s20  }
0x9f: {  	s3 =	ssub.s32 $0x0, s20;
	[sflag:s22] =	ssyncset.done $0x0  }
0xa0: {  	[sflag:s22] =	ssyncadd.s32 s3;
	_ =	sdelay $0x1  }
0xa1: {  	s23 =	simm.s32 $0x1B8B  }
0xa2: {  	_ =	swait.ge [sflag:s23], $0x1  }
0xa3: {  	[sflag:s23] =	ssyncset.done $0x0  }
0xa4: {  	s25 =	simm.s32 $0x1B8E;
	s24 =	sld [smem:$0x3FFE];
	[sflag:s23] =	ssyncadd.s32 $0xFFFFFFFF  }
0xa5: {  	s26 =	simm.s32 $execute0_lowered;
	[smem:$0x3FD2] =	sst s25  }
0xa6: {  	s4 =	sshll.u32 s26, $0x1;
	_ =	strace $0x80000049;
	[dreg:$0x1] =	wrdreg $0xFFFFFFFF  }
0xa7: {  	s28 =	simm.s32 $_size_execute0_lowered;
	s2 =	sadd.s32 s2, s4;
	[dreg:$0x0] =	wrdreg $0x0  }
0xa8: {  	s4 =	sshll.u32 s28, $0x1;
	[dreg:$0x2] =	wrdreg s2  }
0xa9: {  	[dreg:$0x3] =	wrdreg s4  }
0xaa: {  	[dreg:$0x4] =	wrdreg $0xC0  }
0xab: {  	_ =	task [dreg:s6], $0x5FFFF  }
0xac: {  	[dreg:$0x1] =	wrdreg $0xFFFFFFFF  }
0xad: {  	[dreg:$0x0] =	wrdreg $0x60  }
0xae: {  	[dreg:$0x2] =	wrdreg s24  }
0xaf: {  	[dreg:$0x3] =	wrdreg $0x87800  }
0xb0: {  	[dreg:$0x4] =	wrdreg $0x60000  }
0xb1: {  	[dreg:$0x5] =	wrdreg $0x9  }
0xb2: {  	_ =	task.clear_ibuf [dreg:s6], $0x6FFFF;
	_ =	strace $0x90000049  }
0xb3: {  	s29 =	simm.s32 $0x9;
	_ =	strace $0x8000004B  }
0xb4: {  	_ =	swait.ge [sflag:s29], $0x1  }
0xb5: {  	[sflag:s29] =	ssyncadd.s32 $0xFFFFFFFF  }
0xb6: {  	_ =	strace $0x9000004B  }
0xb7: {  	_ =	sfence  }
0xb8: {  	s30 =	sld [smem:$0x0];
	_ =	sdelay $0x2  }
0xb9: {  	s31 =	sshll.u32 s1, $0xD;
	s1 =	sshrl.u32 s1, $0x2  }
0xba: {  	s3 =	sand.u32 $0x4000, s31;
	s1 =	sadd.s32 s1, s30  }
0xbb: {  	s0 =	sor.u32 s3, s0;
	s1 =	sshll.u32 s1, $0x11  }
0xbc: {  	s0 =	sor.u32 s1, s0  }
0xbd: {  	s0 =	sadd.s32 $0x8F2B, s0  }
0xbe: {  	[sflag:s0] =	ssyncadd.remote.s32 $0x1  }
0xbf: {  	_ =	sfence.sel $0xFFFF  }
0xc0: {  	[dreg:$0x0] =	wrdreg $0xFFFFFFFF;
	(pc) =	sbr.abs _section_cstart, $3  }
0xc1: {  	[dreg:$0x1] =	wrdreg $0xFFFFFFFF  }
0xc2: {  	_ =	task.clear_ibuf [dreg:s6], $0x2FFFF;
	_ =	strace $0x9FFFFFFF  }
0xc3: {  	(tm) =	ssettm $0x7FFFFFFF  }
tec
execute0_lowered:
.L_overlay_start_1:
0x0: {  	(tag) =	ssettag $0x1  }
0x1: {  	s6 =	rddreg [dreg:$0x0]  }
0x2: {  	s1 =	srdreg.scid;
	s2 =	rddreg [dreg:$0x1]  }
0x3: {  	s0 =	stileid.u32;
	s3 =	rddreg [dreg:$0x2]  }
0x4: {  	s4 =	simm.s32 $0x0;
	s15 =	simm.s32 $0x2800;
	s16 =	simm.s32 $0x80  }
0x5: {  	s17 =	simm.s32 $0x5000;
	s18 =	simm.s32 $0x5800;
	s19 =	simm.s32 $0x1  }
0x6: {  	s20 =	simm.s32 $0x2;
	s21 =	simm.s32 $0x2780;
	s22 =	simm.s32 $0x4F00  }
0x7: {  	s23 =	simm.s32 $0x4F80;
	s24 =	simm.s32 $0x0;
	s5 =	sand.u32 $0x1, s1  }
0x8: {  	s26 =	sshll.u32 s0, $0x1;
	s8 =	smul.u32 $0x2780, s0;
	[smem:$0x7FF] =	sst s4  }
0x9: {  	s31 =	sshll.u32 s0, $0x6;
	s1 =	sor.u32 s5, s26;
	s9 =	smul.u32 $0x27800, s5  }
0xa: {  	s5 =	ssub.s32 $0x2, s5;
	s7 =	smul.u32 $0x500, s1;
	s1 =	rddreg [dreg:$0x3]  }
0xb: {  	_ =	strace $0x8000004A;
	s29 =	sshrl.u32 s8, $0x3;
	s30 =	sshrl.u32 s5, $0x1  }
0xc: {  	s13 =	sadd.s32 s8, s2;
	s14 =	sadd.s32 s8, s3;
	s28 =	sadd.s32 s8, s9  }
0xd: {  	s9 =	sadd.s32 s29, s6;
	s12 =	ssub.s32 s5, s30;
	s14 =	sshrl.u32 s14, $0x3  }
0xe: {  	s10 =	sadd.s32 s7, s6;
	s7 =	sshrl.u32 s28, $0x3;
	s5 =	sadd.s32 $0xC600, s9  }
0xf: {  	s11 =	sadd.s32 s7, s6;
	s6 =	sor.u32 $0x1C03, s31;
	s7 =	sadd.s32 $0x11600, s9  }
0x10: {  	s8 =	sadd.s32 $0x1B600, s10;
	s9 =	sadd.s32 $0x2600, s10;
	s10 =	sadd.s32 $0x25600, s11  }
0x11: {  	s11 =	smax.u32 s12, $0x1;
	s12 =	sshrl.u32 s13, $0x3;
	s13 =	simm.s32 $0x3  }
.LBB2_1:
0x12: {  	[spmem:s12], [sflag:s6] =	dma.local [hbm:s5], $0x4F0  }
0x13: {  	_ =	swait.ge [sflag:s13], $0x4F0  }
0x14: {  	[sflag:s13] =	ssyncset.done $0x0  }
0x15: {  	[sflag:s13] =	ssyncadd.s32 $0xFFFFFB10  }
0x16: {  	[spmem:s14], [sflag:s6] =	dma.local [hbm:s7], $0x4F0  }
0x17: {  	_ =	swait.ge [sflag:s13], $0x4F0  }
0x18: {  	[sflag:s13] =	ssyncset.done $0x0  }
0x19: {  	[sflag:s13] =	ssyncadd.s32 $0xFFFFFB10  }
0x1a: {  	[tilespmem:s4], [sflag:$0x3] =	stream.linear.gather [hbm4b:s8+s4], $0x2800, $0x38;
	[tilespmem:$0xAF00] =	vst v63  }
0x1b: {  	_ =	swait.ge [sflag:s13], $0x2800  }
0x1c: {  	[sflag:s13] =	ssyncset.done $0x0  }
0x1d: {  	[sflag:s13] =	ssyncadd.s32 $0xFFFFD800  }
0x1e: {  	[tilespmem:s15], [sflag:$0x3] =	stream.linear.gather [hbm4b:s9+s4], $0x2800, $0x38;
	[tilespmem:$0xAF00] =	vst v63  }
0x1f: {  	_ =	swait.ge [sflag:s13], $0x2800  }
0x20: {  	[sflag:s13] =	ssyncset.done $0x0  }
0x21: {  	[sflag:s13] =	ssyncadd.s32 $0xFFFFD800  }
0x22: {  	[bflag:$0x0] =	sbarrier.arrive $0xFFFF  }
0x23: {  	[tilespmem:s17], [sflag:$0x1] =	stream.indirect.gather [spmem:s3], $0x10, s4, s16, $0xb8;
	[tilespmem:$0xAF00] =	vst v63  }
0x24: {  	s25 =	simm.s32 $0x80  }
0x25: {  	[tilespmem:s18], [sflag:$0x2] =	stream.indirect.gather [spmem:s3], $0x10, s25, s16, $0xb8;
	[tilespmem:$0xAF00] =	vst v63  }
0x26: {  	_ =	swait.ge [sflag:s19], $0x800  }
0x27: {  	[sflag:s19] =	ssyncset.done $0x0  }
0x28: {  	s29 =	simm.s32 $0x2800;
	[sflag:s19] =	ssyncadd.s32 $0xFFFFF800  }
0x29: {  	[spmem:s2] =	stream.indirect.scatter.add.f32 [tilespmem:s17], [sflag:$0x3], $0x10, s29, s16, $0xb8;
	[tilespmem:$0xAF00] =	vst v63  }
0x2a: {  	_ =	swait.ge [sflag:s13], $0x800  }
0x2b: {  	[sflag:s13] =	ssyncset.done $0x0  }
0x2c: {  	s30 =	simm.s32 $0x100;
	[sflag:s13] =	ssyncadd.s32 $0xFFFFF800  }
0x2d: {  	[tilespmem:s17], [sflag:$0x1] =	stream.indirect.gather [spmem:s3], $0x10, s30, s16, $0xb8;
	[tilespmem:$0xAF00] =	vst v63  }
0x2e: {  	_ =	swait.ge [sflag:s20], $0x800  }
0x2f: {  	[sflag:s20] =	ssyncset.done $0x0  }
0x30: {  	s31 =	simm.s32 $0x2880;
	[sflag:s20] =	ssyncadd.s32 $0xFFFFF800  }
0x31: {  	[spmem:s2] =	stream.indirect.scatter.add.f32 [tilespmem:s18], [sflag:$0x3], $0x10, s31, s16, $0xb8;
	[tilespmem:$0xAF00] =	vst v63  }
0x32: {  	_ =	swait.ge [sflag:s13], $0x800  }
0x33: {  	s26 =	simm.s32 $0x800;
	s25 =	simm.s32 $0x100;
	[sflag:s13] =	ssyncset.done $0x0  }
.LBB2_2:
0x34: {  	s28 =	sadd.s32 $0x80, s25  }
0x35: {  	[sflag:s13] =	ssyncadd.s32 $0xFFFFF800;
	s29 =	smov.u32 s26;
	s30 =	sadd.s32 $0x400, s26  }
0x36: {  	[tilespmem:s18], [sflag:$0x2] =	stream.indirect.gather [spmem:s3], $0x10, s28, s16, $0xb8;
	[tilespmem:$0xAF00] =	vst v63  }
0x37: {  	p0 =	sne.s32 s26, $0x9800;
	_ =	swait.ge [sflag:s19], $0x800  }
0x38: {  	[sflag:s19] =	ssyncset.done $0x0  }
0x39: {  	s26 =	sadd.s32 $0x2800, s25;
	[sflag:s19] =	ssyncadd.s32 $0xFFFFF800  }
0x3a: {  	[spmem:s2] =	stream.indirect.scatter.add.f32 [tilespmem:s17], [sflag:$0x3], $0x10, s26, s16, $0xb8;
	[tilespmem:$0xAF00] =	vst v63  }
0x3b: {  	_ =	swait.ge [sflag:s13], $0x800  }
0x3c: {  	[sflag:s13] =	ssyncset.done $0x0  }
0x3d: {  	s26 =	sadd.s32 $0x100, s25;
	[sflag:s13] =	ssyncadd.s32 $0xFFFFF800  }
0x3e: {  	[tilespmem:s17], [sflag:$0x1] =	stream.indirect.gather [spmem:s3], $0x10, s26, s16, $0xb8;
	[tilespmem:$0xAF00] =	vst v63  }
0x3f: {  	_ =	swait.ge [sflag:s20], $0x800  }
.Ltmp0:
0x40: {  	[sflag:s20] =	ssyncset.done $0x0;
	(pc) =	sbr.rel @p0 .LBB2_2-.Ltmp0, $4  }
0x41: {  	s25 =	sadd.s32 $0x2880, s25;
	[sflag:s20] =	ssyncadd.s32 $0xFFFFF800  }
0x42: {  	[spmem:s2] =	stream.indirect.scatter.add.f32 [tilespmem:s18], [sflag:$0x3], $0x10, s25, s16, $0xb8;
	[tilespmem:$0xAF00] =	vst v63  }
0x43: {  	_ =	swait.ge [sflag:s13], $0x800  }
0x44: {  	s26 =	smov.u32 s30;
	s25 =	sshra.s32 s29, $0x2;
	[sflag:s13] =	ssyncset.done $0x0  }
0x45: {  	s26 =	sadd.s32 $0x80, s25;
	[sflag:s13] =	ssyncadd.s32 $0xFFFFF800  }
0x46: {  	[tilespmem:s18], [sflag:$0x2] =	stream.indirect.gather [spmem:s3], $0x10, s26, s16, $0xb8;
	[tilespmem:$0xAF00] =	vst v63  }
0x47: {  	_ =	swait.ge [sflag:s19], $0x800  }
0x48: {  	[sflag:s19] =	ssyncset.done $0x0  }
0x49: {  	s29 =	sadd.s32 $0x2800, s25;
	[sflag:s19] =	ssyncadd.s32 $0xFFFFF800  }
0x4a: {  	[spmem:s2] =	stream.indirect.scatter.add.f32 [tilespmem:s17], [sflag:$0x3], $0x10, s29, s16, $0xb8;
	[tilespmem:$0xAF00] =	vst v63  }
0x4b: {  	_ =	swait.ge [sflag:s13], $0x800  }
0x4c: {  	[sflag:s13] =	ssyncset.done $0x0  }
0x4d: {  	s30 =	sadd.s32 $0x100, s25;
	[sflag:s13] =	ssyncadd.s32 $0xFFFFF800  }
0x4e: {  	[tilespmem:s17], [sflag:$0x1] =	stream.indirect.gather [spmem:s3], $0x10, s30, s16, $0xb8;
	[tilespmem:$0xAF00] =	vst v63  }
0x4f: {  	_ =	swait.ge [sflag:s20], $0x800  }
0x50: {  	[sflag:s20] =	ssyncset.done $0x0  }
0x51: {  	s31 =	sadd.s32 $0x2880, s25;
	[sflag:s20] =	ssyncadd.s32 $0xFFFFF800  }
0x52: {  	[spmem:s2] =	stream.indirect.scatter.add.f32 [tilespmem:s18], [sflag:$0x3], $0x10, s31, s16, $0xb8;
	[tilespmem:$0xAF00] =	vst v63  }
0x53: {  	_ =	swait.ge [sflag:s13], $0x800  }
0x54: {  	[sflag:s13] =	ssyncset.done $0x0  }
0x55: {  	[sflag:s13] =	ssyncadd.s32 $0xFFFFF800  }
0x56: {  	[tilespmem:s18], [sflag:$0x2] =	stream.indirect.gather [spmem:s3], $0x10, s21, s16, $0xb8;
	[tilespmem:$0xAF00] =	vst v63  }
0x57: {  	_ =	swait.ge [sflag:s19], $0x800  }
0x58: {  	[sflag:s19] =	ssyncset.done $0x0  }
0x59: {  	[sflag:s19] =	ssyncadd.s32 $0xFFFFF800  }
0x5a: {  	[spmem:s2] =	stream.indirect.scatter.add.f32 [tilespmem:s17], [sflag:$0x3], $0x10, s22, s16, $0xb8;
	[tilespmem:$0xAF00] =	vst v63  }
0x5b: {  	_ =	swait.ge [sflag:s13], $0x800  }
0x5c: {  	[sflag:s13] =	ssyncset.done $0x0  }
0x5d: {  	[sflag:s13] =	ssyncadd.s32 $0xFFFFF800  }
0x5e: {  	_ =	swait.ge [sflag:s20], $0x800  }
0x5f: {  	[sflag:s20] =	ssyncset.done $0x0  }
0x60: {  	[sflag:s20] =	ssyncadd.s32 $0xFFFFF800  }
0x61: {  	[spmem:s2] =	stream.indirect.scatter.add.f32 [tilespmem:s18], [sflag:$0x3], $0x10, s23, s16, $0xb8;
	[tilespmem:$0xAF00] =	vst v63  }
0x62: {  	_ =	swait.ge [sflag:s13], $0x800  }
0x63: {  	s24 =	sadd.s32 $0x1, s24;
	[sflag:s13] =	ssyncset.done $0x0  }
0x64: {  	p0 =	sne.s32 s24, s11;
	[sflag:s13] =	ssyncadd.s32 $0xFFFFF800  }
.Ltmp1:
0x65: {  	[bflag:$0x0] =	sbarrier.arrive $0xFFFF;
	(pc) =	sbr.rel @p0 .LBB2_1-.Ltmp1, $4  }
0x66: {  	[hbm:s10], [sflag:s6] =	dma.local [spmem:s12], $0x4F0  }
0x67: {  	_ =	swait.ge [sflag:s13], $0x4F0  }
0x68: {  	[sflag:s13] =	ssyncset.done $0x0  }
0x69: {  	[sflag:s13] =	ssyncadd.s32 $0xFFFFFB10  }
0x6a: {  	_ =	sfence.sel $0x180000  }
0x6b: {  	[bflag:$0x0] =	sbarrier.arrive $0xFFFF  }
0x6c: {  	p0 =	sne.s32 s0, $0x0;
	_ =	strace $0x9000004A  }
0x6d: {  	s0 =	sadd.s32 @!p0 $0x100000, s1;
	[bflag:$0x2] =	sbarrier.arrive $0xFFFF  }
0x6e: {  	[sflag:s0] =	ssyncadd.tile.s32 @!p0 $0x1;
	_ =	shalt  }
.Lfunc_end2:
_tile_overlayer_lowered:
.L_overlay_start_2:
0x6f: {  	(tag) =	ssettag $0x2  }
0x70: {  	s0 =	rddreg [dreg:$0x0];
	s2 =	stileid.u32  }
0x71: {  	s1 =	rddreg [dreg:$0x1];
	p0 =	sne.s32 s2, $0x0  }
0x72: {  	s3 =	rddreg [dreg:$0x2];
	[bflag:$0x3] =	sbarrier.arrive $0xFFFF;
	s2 =	simm.s32 @!p0 $0x1C03  }
0x73: {  	[timem:s3], [sflag:s2] =	dma.local @!p0 [hbm:s0], s1  }
0x74: {  	s0 =	simm.s32 @!p0 $0x3  }
0x75: {  	_ =	swait.ge @!p0 [sflag:s0], s1  }
0x76: {  	s1 =	ssub.s32 @!p0 $0x0, s1;
	[sflag:s0] =	ssyncset.done @!p0 $0x0  }
0x77: {  	[sflag:s0] =	ssyncadd.s32 @!p0 s1  }
0x78: {  	[bflag:$0x3] =	sbarrier.arrive $0xFFFF  }
0x79: {  	_ =	shalt  }

// kernel: kernel.14.cloned.1.call-start
scs
__scs_entry_jumppad:
0x0: {  	(pc) =	sbr.rel $0x88, $3  }
0x1: {  	(tag) =	ssettag $0x0;
	lr =	simm.s32 $0x1  }
0x2: {  	[smem:$0x3F98] =	sst lr;
	_ =	strace $0xD0000000  }
0x3: {  	_ = 	snop  }
0x4: {  	_ = 	snop  }
0x5: {  	_ = 	snop  }
0x6: {  	_ = 	snop  }
0x7: {  	_ = 	snop  }
__scs_overlays_trampoline_lowered:
0x8: {  	[smem:$0x3FA7] =	sst s0  }
0x9: {  	[smem:$0x3FA8] =	sst s1  }
0xa: {  	[smem:$0x3FA9] =	sst s2  }
0xb: {  	[smem:$0x3FAA] =	sst s3  }
0xc: {  	[smem:$0x3FAB] =	sst s4  }
0xd: {  	[smem:$0x3FAC] =	sst s5  }
0xe: {  	[smem:$0x3FAD] =	sst s6  }
0xf: {  	[smem:$0x3FAE] =	sst s7  }
0x10: {  	[smem:$0x3FAF] =	sst s8  }
0x11: {  	[smem:$0x3FB0] =	sst s9;
	s0 =	simm.s32 @!p0 $0x0  }
0x12: {  	s1 =	sld [smem:$0x3F96];
	s0 =	simm.s32 @p0 $0x1  }
0x13: {  	[smem:$0x3FB1] =	sst s0;
	s0 =	simm.s32 @!p1 $0x0  }
0x14: {  	s2 =	sld [smem:$0x3F95];
	s0 =	simm.s32 @p1 $0x1  }
0x15: {  	[smem:$0x3FB2] =	sst s0;
	s0 =	simm.s32 @!p2 $0x0  }
0x16: {  	s3 =	sld [smem:$0x3FDB];
	s0 =	simm.s32 @p2 $0x1  }
0x17: {  	s4 =	simm.s32 $0x1BF5;
	[smem:$0x3FB4] =	sst s0  }
0x18: {  	s0 =	sld [smem:$0x3F97];
	_ =	swait.ge [sflag:s4], $0x0  }
0x19: {  	s7 =	sld [smem:$0x3F98]  }
0x1a: {  	s8 =	sadd.s32 $0xFFFFE003, lr  }
0x1b: {  	s9 =	sadd.s32 $0xFFFFFEF7, lr;
	s5 =	simm.s32 $0xFFFFFFFF;
	p2 =	slt.u32 s8, $0xFFFFF086  }
0x1c: {  	p1 =	slt.u32 s9, $0xF7A;
	s5 =	simm.s32 @!p2 $0x0  }
0x1d: {  	s5 =	simm.s32 @p1 $0x1;
	p0 =	seq.s32 s7, s2  }
0x1e: {  	s7 =	smul.u32 @!p0 $0xF7A, s2;
	p2 =	seq.s32 @!p0 s5, $0x0  }
0x1f: {  	s9 =	smul.u32 $0xF7A, s1;
	s8 =	simm.s32 @!p0 $0x1BF5;
	p2 =	por !p2, p0  }
0x20: {  	[sflag:s8] =	ssyncset.s32 @!p0 $0xFFFFF086;
	s6 =	sadd.s32 @!p0 s3, s7;
	s7 =	simm.s32 @!p0 $0x108  }
0x21: {  	s3 =	sadd.s32 s3, s9;
	s6 =	sadd.s32 @!p0 $0x88, s6;
	s7 =	simm.s32 @p2 $0x1082  }
0x22: {  	[simem:s7], [sflag:s8] =	dma.local @!p0 [hbm:s6], $0xF7A  }
0x23: {  	s9 =	sor.u32 $0xD0000000, s2;
	s6 =	simm.s32 $0x108;
	_ =	swait.ge @!p0 [sflag:s8], $0x0  }
0x24: {  	s3 =	sadd.s32 $0x88, s3;
	s6 =	simm.s32 @!p1 $0x1082;
	[sflag:s4] =	ssyncset.s32 $0xFFFFF086  }
0x25: {  	[simem:s6], [sflag:s4] =	dma.local [hbm:s3], $0xF7A  }
0x26: {  	[smem:$0x3F98] =	sst s1;
	(tag) =	ssettag s2;
	_ =	strace s9  }
0x27: {  	s1 =	sld [smem:$0x3FA8]  }
0x28: {  	s2 =	sld [smem:$0x3FA9]  }
0x29: {  	s4 =	sld [smem:$0x3FAB]  }
0x2a: {  	p0 =	seq.s32 s5, $0x0;
	s5 =	sld [smem:$0x3FAC]  }
0x2b: {  	s6 =	sld [smem:$0x3FAD]  }
0x2c: {  	s7 =	sld [smem:$0x3FAE]  }
0x2d: {  	s3 =	simm.s32 $0x108;
	s8 =	sld [smem:$0x3FAF]  }
0x2e: {  	s3 =	simm.s32 @!p0 $0x1082;
	s9 =	sld [smem:$0x3FB0]  }
0x2f: {  	lr =	sadd.s32 s0, s3;
	s0 =	sld [smem:$0x3FA7]  }
0x30: {  	s3 =	sld [smem:$0x3FAA]  }
0x31: {  	[smem:$0x3FB3] =	sst s10  }
0x32: {  	s10 =	sld [smem:$0x3FB1];
	_ =	sdelay $0x3  }
0x33: {  	p0 =	seq.s32 s10, $0x1;
	s10 =	sld [smem:$0x3FB3];
	_ =	sdelay $0x3  }
0x34: {  	[smem:$0x3FB3] =	sst s10  }
0x35: {  	s10 =	sld [smem:$0x3FB2];
	_ =	sdelay $0x3  }
0x36: {  	p1 =	seq.s32 s10, $0x1;
	s10 =	sld [smem:$0x3FB3];
	_ =	sdelay $0x3  }
0x37: {  	[smem:$0x3FB3] =	sst s10  }
0x38: {  	s10 =	sld [smem:$0x3FB4]  }
0x39: {  	_ = 	snop;
	(pc) =	sbr.ind lr, $3  }
0x3a: {  	_ = 	snop  }
0x3b: {  	_ = 	snop  }
0x3c: {  	p2 =	seq.s32 s10, $0x1;
	s10 =	sld [smem:$0x3FB3]  }
0x3d: {  	_ =	shalt  }
0x3e: {  	_ =	shalt  }
0x3f: {  	_ =	shalt  }
0x40: {  	_ =	shalt  }
0x41: {  	_ =	shalt  }
0x42: {  	_ =	shalt  }
0x43: {  	_ =	shalt  }
0x44: {  	_ =	shalt  }
0x45: {  	_ =	shalt  }
0x46: {  	_ =	shalt  }
0x47: {  	_ =	shalt  }
0x48: {  	_ =	shalt  }
0x49: {  	_ =	shalt  }
0x4a: {  	_ =	shalt  }
0x4b: {  	_ =	shalt  }
0x4c: {  	_ =	shalt  }
0x4d: {  	_ =	shalt  }
0x4e: {  	_ =	shalt  }
0x4f: {  	_ =	shalt  }
0x50: {  	_ =	shalt  }
0x51: {  	_ =	shalt  }
0x52: {  	_ =	shalt  }
0x53: {  	_ =	shalt  }
0x54: {  	_ =	shalt  }
0x55: {  	_ =	shalt  }
0x56: {  	_ =	shalt  }
0x57: {  	_ =	shalt  }
0x58: {  	_ =	shalt  }
0x59: {  	_ =	shalt  }
0x5a: {  	_ =	shalt  }
0x5b: {  	_ =	shalt  }
0x5c: {  	_ =	shalt  }
0x5d: {  	_ =	shalt  }
0x5e: {  	_ =	shalt  }
0x5f: {  	_ =	shalt  }
0x60: {  	_ =	shalt  }
0x61: {  	_ =	shalt  }
0x62: {  	_ =	shalt  }
0x63: {  	_ =	shalt  }
0x64: {  	_ =	shalt  }
0x65: {  	_ =	shalt  }
0x66: {  	_ =	shalt  }
0x67: {  	_ =	shalt  }
0x68: {  	_ =	shalt  }
0x69: {  	_ =	shalt  }
0x6a: {  	_ =	shalt  }
0x6b: {  	_ =	shalt  }
0x6c: {  	_ =	shalt  }
0x6d: {  	_ =	shalt  }
0x6e: {  	_ =	shalt  }
0x6f: {  	_ =	shalt  }
0x70: {  	_ =	shalt  }
0x71: {  	_ =	shalt  }
0x72: {  	_ =	shalt  }
0x73: {  	_ =	shalt  }
0x74: {  	_ =	shalt  }
0x75: {  	_ =	shalt  }
0x76: {  	_ =	shalt  }
0x77: {  	_ =	shalt  }
0x78: {  	_ =	shalt  }
0x79: {  	_ =	shalt  }
0x7a: {  	_ =	shalt  }
0x7b: {  	_ =	shalt  }
0x7c: {  	_ =	shalt  }
0x7d: {  	_ =	shalt  }
0x7e: {  	_ =	shalt  }
0x7f: {  	_ =	shalt  }
0x80: {  	_ =	shalt  }
0x81: {  	_ =	shalt  }
0x82: {  	_ =	shalt  }
0x83: {  	_ =	shalt  }
0x84: {  	_ =	shalt  }
0x85: {  	_ =	shalt  }
0x86: {  	_ =	shalt  }
0x87: {  	_ =	shalt  }
.Lfunc_end0:
.L_simem_size_0:
called_computation.2_lowered:
.L_overlay_start_0:
0x88: {  	s2 =	sld [smem:$0x3FD9]  }
0x89: {  	s3 =	sld [smem:$0x3FFE];
	_ =	sdelay $0x1  }
0x8a: {  	s1 =	srdreg.scid  }
0x8b: {  	s0 =	sand.u32 $0x1, s1  }
0x8c: {  	s16 =	sshll.u32 s0, $0xA;
	s2 =	sadd.s32 s3, s2  }
0x8d: {  	s2 =	sadd.s32 s2, s16  }
0x8e: {  	[smem:$0x3FBF] =	sst s2  }
0x8f: {  	_ = 	snop  }
0x90: {  	(tm) =	ssettm $0x1  }
0x91: {  	s17 =	sld [smem:$0x3FFB];
	_ =	sdelay $0x3  }
0x92: {  	_ =	strace s17  }
0x93: {  	s2 =	sld [smem:$0x3FFC];
	_ =	sdelay $0x3  }
0x94: {  	_ =	strace s2  }
0x95: {  	s2 =	sld [smem:$0x3FFD];
	_ =	sdelay $0x3  }
0x96: {  	_ =	strace s2  }
0x97: {  	_ =	strace $0x8FFFFFFF  }
0x98: {  	s18 =	sld [smem:$0x3FDB];
	_ =	sdelay $0x1  }
0x99: {  	s19 =	simm.s32 $_scs_section_size  }
0x9a: {  	s4 =	simm.s32 $_size__tile_overlayer_lowered;
	s5 =	simm.s32 $_tile_overlayer_lowered  }
0x9b: {  	s22 =	simm.s32 $0x1BFF;
	s21 =	sshll.u32 s5, $0x1;
	s2 =	sadd.s32 s19, s18  }
0x9c: {  	s6 =	simm.s32 $0x0;
	s20 =	sshll.u32 s4, $0x1;
	s4 =	sadd.s32 s21, s2  }
0x9d: {  	[timem:s6], [sflag:s22] =	dma.local [hbm:s4], s20  }
0x9e: {  	_ =	swait.ge [sflag:s22], s20  }
0x9f: {  	s3 =	ssub.s32 $0x0, s20;
	[sflag:s22] =	ssyncset.done $0x0  }
0xa0: {  	[sflag:s22] =	ssyncadd.s32 s3;
	_ =	sdelay $0x1  }
0xa1: {  	s23 =	simm.s32 $0x1B8B  }
0xa2: {  	_ =	swait.ge [sflag:s23], $0x1  }
0xa3: {  	[sflag:s23] =	ssyncset.done $0x0  }
0xa4: {  	s25 =	simm.s32 $0x1B8E;
	s24 =	sld [smem:$0x3FFE];
	[sflag:s23] =	ssyncadd.s32 $0xFFFFFFFF  }
0xa5: {  	s26 =	simm.s32 $execute0_lowered;
	[smem:$0x3FD2] =	sst s25  }
0xa6: {  	s4 =	sshll.u32 s26, $0x1;
	_ =	strace $0x8000004C;
	[dreg:$0x1] =	wrdreg $0xFFFFFFFF  }
0xa7: {  	s28 =	simm.s32 $_size_execute0_lowered;
	s2 =	sadd.s32 s2, s4;
	[dreg:$0x0] =	wrdreg $0x0  }
0xa8: {  	s4 =	sshll.u32 s28, $0x1;
	[dreg:$0x2] =	wrdreg s2  }
0xa9: {  	[dreg:$0x3] =	wrdreg s4  }
0xaa: {  	[dreg:$0x4] =	wrdreg $0xC0  }
0xab: {  	_ =	task [dreg:s6], $0x5FFFF  }
0xac: {  	[dreg:$0x1] =	wrdreg $0xFFFFFFFF  }
0xad: {  	[dreg:$0x0] =	wrdreg $0x60  }
0xae: {  	[dreg:$0x2] =	wrdreg s24  }
0xaf: {  	[dreg:$0x3] =	wrdreg $0x87800  }
0xb0: {  	[dreg:$0x4] =	wrdreg $0x60000  }
0xb1: {  	[dreg:$0x5] =	wrdreg $0x9  }
0xb2: {  	_ =	task.clear_ibuf [dreg:s6], $0x6FFFF;
	_ =	strace $0x9000004C  }
0xb3: {  	s29 =	simm.s32 $0x9;
	_ =	strace $0x8000004E  }
0xb4: {  	_ =	swait.ge [sflag:s29], $0x1  }
0xb5: {  	[sflag:s29] =	ssyncadd.s32 $0xFFFFFFFF  }
0xb6: {  	_ =	strace $0x9000004E  }
0xb7: {  	_ =	sfence  }
0xb8: {  	s30 =	sld [smem:$0x0];
	_ =	sdelay $0x2  }
0xb9: {  	s31 =	sshll.u32 s1, $0xD;
	s1 =	sshrl.u32 s1, $0x2  }
0xba: {  	s3 =	sand.u32 $0x4000, s31;
	s1 =	sadd.s32 s1, s30  }
0xbb: {  	s0 =	sor.u32 s3, s0;
	s1 =	sshll.u32 s1, $0x11  }
0xbc: {  	s0 =	sor.u32 s1, s0  }
0xbd: {  	s0 =	sadd.s32 $0x8F2B, s0  }
0xbe: {  	[sflag:s0] =	ssyncadd.remote.s32 $0x1  }
0xbf: {  	_ =	sfence.sel $0xFFFF  }
0xc0: {  	[dreg:$0x0] =	wrdreg $0xFFFFFFFF;
	(pc) =	sbr.abs _section_cstart, $3  }
0xc1: {  	[dreg:$0x1] =	wrdreg $0xFFFFFFFF  }
0xc2: {  	_ =	task.clear_ibuf [dreg:s6], $0x2FFFF;
	_ =	strace $0x9FFFFFFF  }
0xc3: {  	(tm) =	ssettm $0x7FFFFFFF  }
tec
execute0_lowered:
.L_overlay_start_1:
0x0: {  	(tag) =	ssettag $0x1  }
0x1: {  	s6 =	rddreg [dreg:$0x0]  }
0x2: {  	s1 =	srdreg.scid;
	s2 =	rddreg [dreg:$0x1]  }
0x3: {  	s0 =	stileid.u32;
	s3 =	rddreg [dreg:$0x2]  }
0x4: {  	s4 =	simm.s32 $0x0;
	s15 =	simm.s32 $0x2800;
	s16 =	simm.s32 $0x80  }
0x5: {  	s17 =	simm.s32 $0x5000;
	s18 =	simm.s32 $0x5800;
	s19 =	simm.s32 $0x1  }
0x6: {  	s20 =	simm.s32 $0x2;
	s21 =	simm.s32 $0x2780;
	s22 =	simm.s32 $0x4F00  }
0x7: {  	s23 =	simm.s32 $0x4F80;
	s24 =	simm.s32 $0x0;
	s5 =	sand.u32 $0x1, s1  }
0x8: {  	s26 =	sshll.u32 s0, $0x1;
	s8 =	smul.u32 $0x2780, s0;
	[smem:$0x7FF] =	sst s4  }
0x9: {  	s31 =	sshll.u32 s0, $0x6;
	s1 =	sor.u32 s5, s26;
	s9 =	smul.u32 $0x27800, s5  }
0xa: {  	s5 =	ssub.s32 $0x2, s5;
	s7 =	smul.u32 $0x500, s1;
	s1 =	rddreg [dreg:$0x3]  }
0xb: {  	_ =	strace $0x8000004D;
	s29 =	sshrl.u32 s8, $0x3;
	s30 =	sshrl.u32 s5, $0x1  }
0xc: {  	s13 =	sadd.s32 s8, s2;
	s14 =	sadd.s32 s8, s3;
	s28 =	sadd.s32 s8, s9  }
0xd: {  	s9 =	sadd.s32 s29, s6;
	s12 =	ssub.s32 s5, s30;
	s14 =	sshrl.u32 s14, $0x3  }
0xe: {  	s10 =	sadd.s32 s7, s6;
	s7 =	sshrl.u32 s28, $0x3;
	s5 =	sadd.s32 $0xC600, s9  }
0xf: {  	s11 =	sadd.s32 s7, s6;
	s6 =	sor.u32 $0x1C03, s31;
	s7 =	sadd.s32 $0x11600, s9  }
0x10: {  	s8 =	sadd.s32 $0x1B600, s10;
	s9 =	sadd.s32 $0x2600, s10;
	s10 =	sadd.s32 $0x25600, s11  }
0x11: {  	s11 =	smax.u32 s12, $0x1;
	s12 =	sshrl.u32 s13, $0x3;
	s13 =	simm.s32 $0x3  }
.LBB2_1:
0x12: {  	[spmem:s12], [sflag:s6] =	dma.local [hbm:s5], $0x4F0  }
0x13: {  	_ =	swait.ge [sflag:s13], $0x4F0  }
0x14: {  	[sflag:s13] =	ssyncset.done $0x0  }
0x15: {  	[sflag:s13] =	ssyncadd.s32 $0xFFFFFB10  }
0x16: {  	[spmem:s14], [sflag:s6] =	dma.local [hbm:s7], $0x4F0  }
0x17: {  	_ =	swait.ge [sflag:s13], $0x4F0  }
0x18: {  	[sflag:s13] =	ssyncset.done $0x0  }
0x19: {  	[sflag:s13] =	ssyncadd.s32 $0xFFFFFB10  }
0x1a: {  	[tilespmem:s4], [sflag:$0x3] =	stream.linear.gather [hbm4b:s8+s4], $0x2800, $0x38;
	[tilespmem:$0xAF00] =	vst v63  }
0x1b: {  	_ =	swait.ge [sflag:s13], $0x2800  }
0x1c: {  	[sflag:s13] =	ssyncset.done $0x0  }
0x1d: {  	[sflag:s13] =	ssyncadd.s32 $0xFFFFD800  }
0x1e: {  	[tilespmem:s15], [sflag:$0x3] =	stream.linear.gather [hbm4b:s9+s4], $0x2800, $0x38;
	[tilespmem:$0xAF00] =	vst v63  }
0x1f: {  	_ =	swait.ge [sflag:s13], $0x2800  }
0x20: {  	[sflag:s13] =	ssyncset.done $0x0  }
0x21: {  	[sflag:s13] =	ssyncadd.s32 $0xFFFFD800  }
0x22: {  	[bflag:$0x0] =	sbarrier.arrive $0xFFFF  }
0x23: {  	[tilespmem:s17], [sflag:$0x1] =	stream.indirect.gather [spmem:s3], $0x10, s4, s16, $0xb8;
	[tilespmem:$0xAF00] =	vst v63  }
0x24: {  	s25 =	simm.s32 $0x80  }
0x25: {  	[tilespmem:s18], [sflag:$0x2] =	stream.indirect.gather [spmem:s3], $0x10, s25, s16, $0xb8;
	[tilespmem:$0xAF00] =	vst v63  }
0x26: {  	_ =	swait.ge [sflag:s19], $0x800  }
0x27: {  	[sflag:s19] =	ssyncset.done $0x0  }
0x28: {  	s29 =	simm.s32 $0x2800;
	[sflag:s19] =	ssyncadd.s32 $0xFFFFF800  }
0x29: {  	[spmem:s2] =	stream.indirect.scatter.add.f32 [tilespmem:s17], [sflag:$0x3], $0x10, s29, s16, $0xb8;
	[tilespmem:$0xAF00] =	vst v63  }
0x2a: {  	_ =	swait.ge [sflag:s13], $0x800  }
0x2b: {  	[sflag:s13] =	ssyncset.done $0x0  }
0x2c: {  	s30 =	simm.s32 $0x100;
	[sflag:s13] =	ssyncadd.s32 $0xFFFFF800  }
0x2d: {  	[tilespmem:s17], [sflag:$0x1] =	stream.indirect.gather [spmem:s3], $0x10, s30, s16, $0xb8;
	[tilespmem:$0xAF00] =	vst v63  }
0x2e: {  	_ =	swait.ge [sflag:s20], $0x800  }
0x2f: {  	[sflag:s20] =	ssyncset.done $0x0  }
0x30: {  	s31 =	simm.s32 $0x2880;
	[sflag:s20] =	ssyncadd.s32 $0xFFFFF800  }
0x31: {  	[spmem:s2] =	stream.indirect.scatter.add.f32 [tilespmem:s18], [sflag:$0x3], $0x10, s31, s16, $0xb8;
	[tilespmem:$0xAF00] =	vst v63  }
0x32: {  	_ =	swait.ge [sflag:s13], $0x800  }
0x33: {  	s26 =	simm.s32 $0x800;
	s25 =	simm.s32 $0x100;
	[sflag:s13] =	ssyncset.done $0x0  }
.LBB2_2:
0x34: {  	s28 =	sadd.s32 $0x80, s25  }
0x35: {  	[sflag:s13] =	ssyncadd.s32 $0xFFFFF800;
	s29 =	smov.u32 s26;
	s30 =	sadd.s32 $0x400, s26  }
0x36: {  	[tilespmem:s18], [sflag:$0x2] =	stream.indirect.gather [spmem:s3], $0x10, s28, s16, $0xb8;
	[tilespmem:$0xAF00] =	vst v63  }
0x37: {  	p0 =	sne.s32 s26, $0x9800;
	_ =	swait.ge [sflag:s19], $0x800  }
0x38: {  	[sflag:s19] =	ssyncset.done $0x0  }
0x39: {  	s26 =	sadd.s32 $0x2800, s25;
	[sflag:s19] =	ssyncadd.s32 $0xFFFFF800  }
0x3a: {  	[spmem:s2] =	stream.indirect.scatter.add.f32 [tilespmem:s17], [sflag:$0x3], $0x10, s26, s16, $0xb8;
	[tilespmem:$0xAF00] =	vst v63  }
0x3b: {  	_ =	swait.ge [sflag:s13], $0x800  }
0x3c: {  	[sflag:s13] =	ssyncset.done $0x0  }
0x3d: {  	s26 =	sadd.s32 $0x100, s25;
	[sflag:s13] =	ssyncadd.s32 $0xFFFFF800  }
0x3e: {  	[tilespmem:s17], [sflag:$0x1] =	stream.indirect.gather [spmem:s3], $0x10, s26, s16, $0xb8;
	[tilespmem:$0xAF00] =	vst v63  }
0x3f: {  	_ =	swait.ge [sflag:s20], $0x800  }
.Ltmp0:
0x40: {  	[sflag:s20] =	ssyncset.done $0x0;
	(pc) =	sbr.rel @p0 .LBB2_2-.Ltmp0, $4  }
0x41: {  	s25 =	sadd.s32 $0x2880, s25;
	[sflag:s20] =	ssyncadd.s32 $0xFFFFF800  }
0x42: {  	[spmem:s2] =	stream.indirect.scatter.add.f32 [tilespmem:s18], [sflag:$0x3], $0x10, s25, s16, $0xb8;
	[tilespmem:$0xAF00] =	vst v63  }
0x43: {  	_ =	swait.ge [sflag:s13], $0x800  }
0x44: {  	s26 =	smov.u32 s30;
	s25 =	sshra.s32 s29, $0x2;
	[sflag:s13] =	ssyncset.done $0x0  }
0x45: {  	s26 =	sadd.s32 $0x80, s25;
	[sflag:s13] =	ssyncadd.s32 $0xFFFFF800  }
0x46: {  	[tilespmem:s18], [sflag:$0x2] =	stream.indirect.gather [spmem:s3], $0x10, s26, s16, $0xb8;
	[tilespmem:$0xAF00] =	vst v63  }
0x47: {  	_ =	swait.ge [sflag:s19], $0x800  }
0x48: {  	[sflag:s19] =	ssyncset.done $0x0  }
0x49: {  	s29 =	sadd.s32 $0x2800, s25;
	[sflag:s19] =	ssyncadd.s32 $0xFFFFF800  }
0x4a: {  	[spmem:s2] =	stream.indirect.scatter.add.f32 [tilespmem:s17], [sflag:$0x3], $0x10, s29, s16, $0xb8;
	[tilespmem:$0xAF00] =	vst v63  }
0x4b: {  	_ =	swait.ge [sflag:s13], $0x800  }
0x4c: {  	[sflag:s13] =	ssyncset.done $0x0  }
0x4d: {  	s30 =	sadd.s32 $0x100, s25;
	[sflag:s13] =	ssyncadd.s32 $0xFFFFF800  }
0x4e: {  	[tilespmem:s17], [sflag:$0x1] =	stream.indirect.gather [spmem:s3], $0x10, s30, s16, $0xb8;
	[tilespmem:$0xAF00] =	vst v63  }
0x4f: {  	_ =	swait.ge [sflag:s20], $0x800  }
0x50: {  	[sflag:s20] =	ssyncset.done $0x0  }
0x51: {  	s31 =	sadd.s32 $0x2880, s25;
	[sflag:s20] =	ssyncadd.s32 $0xFFFFF800  }
0x52: {  	[spmem:s2] =	stream.indirect.scatter.add.f32 [tilespmem:s18], [sflag:$0x3], $0x10, s31, s16, $0xb8;
	[tilespmem:$0xAF00] =	vst v63  }
0x53: {  	_ =	swait.ge [sflag:s13], $0x800  }
0x54: {  	[sflag:s13] =	ssyncset.done $0x0  }
0x55: {  	[sflag:s13] =	ssyncadd.s32 $0xFFFFF800  }
0x56: {  	[tilespmem:s18], [sflag:$0x2] =	stream.indirect.gather [spmem:s3], $0x10, s21, s16, $0xb8;
	[tilespmem:$0xAF00] =	vst v63  }
0x57: {  	_ =	swait.ge [sflag:s19], $0x800  }
0x58: {  	[sflag:s19] =	ssyncset.done $0x0  }
0x59: {  	[sflag:s19] =	ssyncadd.s32 $0xFFFFF800  }
0x5a: {  	[spmem:s2] =	stream.indirect.scatter.add.f32 [tilespmem:s17], [sflag:$0x3], $0x10, s22, s16, $0xb8;
	[tilespmem:$0xAF00] =	vst v63  }
0x5b: {  	_ =	swait.ge [sflag:s13], $0x800  }
0x5c: {  	[sflag:s13] =	ssyncset.done $0x0  }
0x5d: {  	[sflag:s13] =	ssyncadd.s32 $0xFFFFF800  }
0x5e: {  	_ =	swait.ge [sflag:s20], $0x800  }
0x5f: {  	[sflag:s20] =	ssyncset.done $0x0  }
0x60: {  	[sflag:s20] =	ssyncadd.s32 $0xFFFFF800  }
0x61: {  	[spmem:s2] =	stream.indirect.scatter.add.f32 [tilespmem:s18], [sflag:$0x3], $0x10, s23, s16, $0xb8;
	[tilespmem:$0xAF00] =	vst v63  }
0x62: {  	_ =	swait.ge [sflag:s13], $0x800  }
0x63: {  	s24 =	sadd.s32 $0x1, s24;
	[sflag:s13] =	ssyncset.done $0x0  }
0x64: {  	p0 =	sne.s32 s24, s11;
	[sflag:s13] =	ssyncadd.s32 $0xFFFFF800  }
.Ltmp1:
0x65: {  	[bflag:$0x0] =	sbarrier.arrive $0xFFFF;
	(pc) =	sbr.rel @p0 .LBB2_1-.Ltmp1, $4  }
0x66: {  	[hbm:s10], [sflag:s6] =	dma.local [spmem:s12], $0x4F0  }
0x67: {  	_ =	swait.ge [sflag:s13], $0x4F0  }
0x68: {  	[sflag:s13] =	ssyncset.done $0x0  }
0x69: {  	[sflag:s13] =	ssyncadd.s32 $0xFFFFFB10  }
0x6a: {  	_ =	sfence.sel $0x180000  }
0x6b: {  	[bflag:$0x0] =	sbarrier.arrive $0xFFFF  }
0x6c: {  	p0 =	sne.s32 s0, $0x0;
	_ =	strace $0x9000004D  }
0x6d: {  	s0 =	sadd.s32 @!p0 $0x100000, s1;
	[bflag:$0x2] =	sbarrier.arrive $0xFFFF  }
0x6e: {  	[sflag:s0] =	ssyncadd.tile.s32 @!p0 $0x1;
	_ =	shalt  }
.Lfunc_end2:
_tile_overlayer_lowered:
.L_overlay_start_2:
0x6f: {  	(tag) =	ssettag $0x2  }
0x70: {  	s0 =	rddreg [dreg:$0x0];
	s2 =	stileid.u32  }
0x71: {  	s1 =	rddreg [dreg:$0x1];
	p0 =	sne.s32 s2, $0x0  }
0x72: {  	s3 =	rddreg [dreg:$0x2];
	[bflag:$0x3] =	sbarrier.arrive $0xFFFF;
	s2 =	simm.s32 @!p0 $0x1C03  }
0x73: {  	[timem:s3], [sflag:s2] =	dma.local @!p0 [hbm:s0], s1  }
0x74: {  	s0 =	simm.s32 @!p0 $0x3  }
0x75: {  	_ =	swait.ge @!p0 [sflag:s0], s1  }
0x76: {  	s1 =	ssub.s32 @!p0 $0x0, s1;
	[sflag:s0] =	ssyncset.done @!p0 $0x0  }
0x77: {  	[sflag:s0] =	ssyncadd.s32 @!p0 s1  }
0x78: {  	[bflag:$0x3] =	sbarrier.arrive $0xFFFF  }
0x79: {  	_ =	shalt  }

// kernel: kernel.8.cloned.1.call-start
scs
__scs_entry_jumppad:
0x0: {  	(pc) =	sbr.rel $0x88, $3  }
0x1: {  	(tag) =	ssettag $0x0;
	lr =	simm.s32 $0x1  }
0x2: {  	[smem:$0x3F98] =	sst lr;
	_ =	strace $0xD0000000  }
0x3: {  	_ = 	snop  }
0x4: {  	_ = 	snop  }
0x5: {  	_ = 	snop  }
0x6: {  	_ = 	snop  }
0x7: {  	_ = 	snop  }
__scs_overlays_trampoline_lowered:
0x8: {  	[smem:$0x3FA7] =	sst s0  }
0x9: {  	[smem:$0x3FA8] =	sst s1  }
0xa: {  	[smem:$0x3FA9] =	sst s2  }
0xb: {  	[smem:$0x3FAA] =	sst s3  }
0xc: {  	[smem:$0x3FAB] =	sst s4  }
0xd: {  	[smem:$0x3FAC] =	sst s5  }
0xe: {  	[smem:$0x3FAD] =	sst s6  }
0xf: {  	[smem:$0x3FAE] =	sst s7  }
0x10: {  	[smem:$0x3FAF] =	sst s8  }
0x11: {  	[smem:$0x3FB0] =	sst s9;
	s0 =	simm.s32 @!p0 $0x0  }
0x12: {  	s1 =	sld [smem:$0x3F96];
	s0 =	simm.s32 @p0 $0x1  }
0x13: {  	[smem:$0x3FB1] =	sst s0;
	s0 =	simm.s32 @!p1 $0x0  }
0x14: {  	s2 =	sld [smem:$0x3F95];
	s0 =	simm.s32 @p1 $0x1  }
0x15: {  	[smem:$0x3FB2] =	sst s0;
	s0 =	simm.s32 @!p2 $0x0  }
0x16: {  	s3 =	sld [smem:$0x3FDB];
	s0 =	simm.s32 @p2 $0x1  }
0x17: {  	s4 =	simm.s32 $0x1BF5;
	[smem:$0x3FB4] =	sst s0  }
0x18: {  	s0 =	sld [smem:$0x3F97];
	_ =	swait.ge [sflag:s4], $0x0  }
0x19: {  	s7 =	sld [smem:$0x3F98]  }
0x1a: {  	s8 =	sadd.s32 $0xFFFFE003, lr  }
0x1b: {  	s9 =	sadd.s32 $0xFFFFFEF7, lr;
	s5 =	simm.s32 $0xFFFFFFFF;
	p2 =	slt.u32 s8, $0xFFFFF086  }
0x1c: {  	p1 =	slt.u32 s9, $0xF7A;
	s5 =	simm.s32 @!p2 $0x0  }
0x1d: {  	s5 =	simm.s32 @p1 $0x1;
	p0 =	seq.s32 s7, s2  }
0x1e: {  	s7 =	smul.u32 @!p0 $0xF7A, s2;
	p2 =	seq.s32 @!p0 s5, $0x0  }
0x1f: {  	s9 =	smul.u32 $0xF7A, s1;
	s8 =	simm.s32 @!p0 $0x1BF5;
	p2 =	por !p2, p0  }
0x20: {  	[sflag:s8] =	ssyncset.s32 @!p0 $0xFFFFF086;
	s6 =	sadd.s32 @!p0 s3, s7;
	s7 =	simm.s32 @!p0 $0x108  }
0x21: {  	s3 =	sadd.s32 s3, s9;
	s6 =	sadd.s32 @!p0 $0x88, s6;
	s7 =	simm.s32 @p2 $0x1082  }
0x22: {  	[simem:s7], [sflag:s8] =	dma.local @!p0 [hbm:s6], $0xF7A  }
0x23: {  	s9 =	sor.u32 $0xD0000000, s2;
	s6 =	simm.s32 $0x108;
	_ =	swait.ge @!p0 [sflag:s8], $0x0  }
0x24: {  	s3 =	sadd.s32 $0x88, s3;
	s6 =	simm.s32 @!p1 $0x1082;
	[sflag:s4] =	ssyncset.s32 $0xFFFFF086  }
0x25: {  	[simem:s6], [sflag:s4] =	dma.local [hbm:s3], $0xF7A  }
0x26: {  	[smem:$0x3F98] =	sst s1;
	(tag) =	ssettag s2;
	_ =	strace s9  }
0x27: {  	s1 =	sld [smem:$0x3FA8]  }
0x28: {  	s2 =	sld [smem:$0x3FA9]  }
0x29: {  	s4 =	sld [smem:$0x3FAB]  }
0x2a: {  	p0 =	seq.s32 s5, $0x0;
	s5 =	sld [smem:$0x3FAC]  }
0x2b: {  	s6 =	sld [smem:$0x3FAD]  }
0x2c: {  	s7 =	sld [smem:$0x3FAE]  }
0x2d: {  	s3 =	simm.s32 $0x108;
	s8 =	sld [smem:$0x3FAF]  }
0x2e: {  	s3 =	simm.s32 @!p0 $0x1082;
	s9 =	sld [smem:$0x3FB0]  }
0x2f: {  	lr =	sadd.s32 s0, s3;
	s0 =	sld [smem:$0x3FA7]  }
0x30: {  	s3 =	sld [smem:$0x3FAA]  }
0x31: {  	[smem:$0x3FB3] =	sst s10  }
0x32: {  	s10 =	sld [smem:$0x3FB1];
	_ =	sdelay $0x3  }
0x33: {  	p0 =	seq.s32 s10, $0x1;
	s10 =	sld [smem:$0x3FB3];
	_ =	sdelay $0x3  }
0x34: {  	[smem:$0x3FB3] =	sst s10  }
0x35: {  	s10 =	sld [smem:$0x3FB2];
	_ =	sdelay $0x3  }
0x36: {  	p1 =	seq.s32 s10, $0x1;
	s10 =	sld [smem:$0x3FB3];
	_ =	sdelay $0x3  }
0x37: {  	[smem:$0x3FB3] =	sst s10  }
0x38: {  	s10 =	sld [smem:$0x3FB4]  }
0x39: {  	_ = 	snop;
	(pc) =	sbr.ind lr, $3  }
0x3a: {  	_ = 	snop  }
0x3b: {  	_ = 	snop  }
0x3c: {  	p2 =	seq.s32 s10, $0x1;
	s10 =	sld [smem:$0x3FB3]  }
0x3d: {  	_ =	shalt  }
0x3e: {  	_ =	shalt  }
0x3f: {  	_ =	shalt  }
0x40: {  	_ =	shalt  }
0x41: {  	_ =	shalt  }
0x42: {  	_ =	shalt  }
0x43: {  	_ =	shalt  }
0x44: {  	_ =	shalt  }
0x45: {  	_ =	shalt  }
0x46: {  	_ =	shalt  }
0x47: {  	_ =	shalt  }
0x48: {  	_ =	shalt  }
0x49: {  	_ =	shalt  }
0x4a: {  	_ =	shalt  }
0x4b: {  	_ =	shalt  }
0x4c: {  	_ =	shalt  }
0x4d: {  	_ =	shalt  }
0x4e: {  	_ =	shalt  }
0x4f: {  	_ =	shalt  }
0x50: {  	_ =	shalt  }
0x51: {  	_ =	shalt  }
0x52: {  	_ =	shalt  }
0x53: {  	_ =	shalt  }
0x54: {  	_ =	shalt  }
0x55: {  	_ =	shalt  }
0x56: {  	_ =	shalt  }
0x57: {  	_ =	shalt  }
0x58: {  	_ =	shalt  }
0x59: {  	_ =	shalt  }
0x5a: {  	_ =	shalt  }
0x5b: {  	_ =	shalt  }
0x5c: {  	_ =	shalt  }
0x5d: {  	_ =	shalt  }
0x5e: {  	_ =	shalt  }
0x5f: {  	_ =	shalt  }
0x60: {  	_ =	shalt  }
0x61: {  	_ =	shalt  }
0x62: {  	_ =	shalt  }
0x63: {  	_ =	shalt  }
0x64: {  	_ =	shalt  }
0x65: {  	_ =	shalt  }
0x66: {  	_ =	shalt  }
0x67: {  	_ =	shalt  }
0x68: {  	_ =	shalt  }
0x69: {  	_ =	shalt  }
0x6a: {  	_ =	shalt  }
0x6b: {  	_ =	shalt  }
0x6c: {  	_ =	shalt  }
0x6d: {  	_ =	shalt  }
0x6e: {  	_ =	shalt  }
0x6f: {  	_ =	shalt  }
0x70: {  	_ =	shalt  }
0x71: {  	_ =	shalt  }
0x72: {  	_ =	shalt  }
0x73: {  	_ =	shalt  }
0x74: {  	_ =	shalt  }
0x75: {  	_ =	shalt  }
0x76: {  	_ =	shalt  }
0x77: {  	_ =	shalt  }
0x78: {  	_ =	shalt  }
0x79: {  	_ =	shalt  }
0x7a: {  	_ =	shalt  }
0x7b: {  	_ =	shalt  }
0x7c: {  	_ =	shalt  }
0x7d: {  	_ =	shalt  }
0x7e: {  	_ =	shalt  }
0x7f: {  	_ =	shalt  }
0x80: {  	_ =	shalt  }
0x81: {  	_ =	shalt  }
0x82: {  	_ =	shalt  }
0x83: {  	_ =	shalt  }
0x84: {  	_ =	shalt  }
0x85: {  	_ =	shalt  }
0x86: {  	_ =	shalt  }
0x87: {  	_ =	shalt  }
.Lfunc_end0:
.L_simem_size_0:
called_computation_lowered:
.L_overlay_start_0:
0x88: {  	s2 =	sld [smem:$0x3FD9]  }
0x89: {  	s3 =	sld [smem:$0x3FFE];
	_ =	sdelay $0x1  }
0x8a: {  	s1 =	srdreg.scid  }
0x8b: {  	s0 =	sand.u32 $0x1, s1  }
0x8c: {  	s16 =	sshll.u32 s0, $0xA;
	s2 =	sadd.s32 s3, s2  }
0x8d: {  	s2 =	sadd.s32 s2, s16  }
0x8e: {  	[smem:$0x3FBF] =	sst s2  }
0x8f: {  	_ = 	snop  }
0x90: {  	(tm) =	ssettm $0x1  }
0x91: {  	s17 =	sld [smem:$0x3FFB];
	_ =	sdelay $0x3  }
0x92: {  	_ =	strace s17  }
0x93: {  	s2 =	sld [smem:$0x3FFC];
	_ =	sdelay $0x3  }
0x94: {  	_ =	strace s2  }
0x95: {  	s2 =	sld [smem:$0x3FFD];
	_ =	sdelay $0x3  }
0x96: {  	_ =	strace s2  }
0x97: {  	_ =	strace $0x8FFFFFFF  }
0x98: {  	s18 =	sld [smem:$0x3FDB];
	_ =	sdelay $0x1  }
0x99: {  	s19 =	simm.s32 $_scs_section_size  }
0x9a: {  	s4 =	simm.s32 $_size__tile_overlayer_lowered;
	s5 =	simm.s32 $_tile_overlayer_lowered  }
0x9b: {  	s22 =	simm.s32 $0x1BFF;
	s21 =	sshll.u32 s5, $0x1;
	s2 =	sadd.s32 s19, s18  }
0x9c: {  	s6 =	simm.s32 $0x0;
	s20 =	sshll.u32 s4, $0x1;
	s4 =	sadd.s32 s21, s2  }
0x9d: {  	[timem:s6], [sflag:s22] =	dma.local [hbm:s4], s20  }
0x9e: {  	_ =	swait.ge [sflag:s22], s20  }
0x9f: {  	s3 =	ssub.s32 $0x0, s20;
	[sflag:s22] =	ssyncset.done $0x0  }
0xa0: {  	[sflag:s22] =	ssyncadd.s32 s3;
	_ =	sdelay $0x1  }
0xa1: {  	s23 =	simm.s32 $0x1B8B  }
0xa2: {  	_ =	swait.ge [sflag:s23], $0x1  }
0xa3: {  	[sflag:s23] =	ssyncset.done $0x0  }
0xa4: {  	s25 =	simm.s32 $0x1B8E;
	s24 =	sld [smem:$0x3FFE];
	[sflag:s23] =	ssyncadd.s32 $0xFFFFFFFF  }
0xa5: {  	s26 =	simm.s32 $execute0_lowered;
	[smem:$0x3FD2] =	sst s25  }
0xa6: {  	s4 =	sshll.u32 s26, $0x1;
	_ =	strace $0x80000046;
	[dreg:$0x1] =	wrdreg $0xFFFFFFFF  }
0xa7: {  	s28 =	simm.s32 $_size_execute0_lowered;
	s2 =	sadd.s32 s2, s4;
	[dreg:$0x0] =	wrdreg $0x0  }
0xa8: {  	s4 =	sshll.u32 s28, $0x1;
	[dreg:$0x2] =	wrdreg s2  }
0xa9: {  	[dreg:$0x3] =	wrdreg s4  }
0xaa: {  	[dreg:$0x4] =	wrdreg $0xC0  }
0xab: {  	_ =	task [dreg:s6], $0x5FFFF  }
0xac: {  	[dreg:$0x1] =	wrdreg $0xFFFFFFFF  }
0xad: {  	[dreg:$0x0] =	wrdreg $0x60  }
0xae: {  	[dreg:$0x2] =	wrdreg s24  }
0xaf: {  	[dreg:$0x3] =	wrdreg $0x30000  }
0xb0: {  	[dreg:$0x4] =	wrdreg $0x9  }
0xb1: {  	_ =	task.clear_ibuf [dreg:s6], $0x5FFFF;
	_ =	strace $0x90000046  }
0xb2: {  	s29 =	simm.s32 $0x9;
	_ =	strace $0x80000048  }
0xb3: {  	_ =	swait.ge [sflag:s29], $0x1  }
0xb4: {  	[sflag:s29] =	ssyncadd.s32 $0xFFFFFFFF  }
0xb5: {  	_ =	strace $0x90000048  }
0xb6: {  	_ =	sfence  }
0xb7: {  	s30 =	sld [smem:$0x0];
	_ =	sdelay $0x2  }
0xb8: {  	s31 =	sshll.u32 s1, $0xD;
	s1 =	sshrl.u32 s1, $0x2  }
0xb9: {  	s3 =	sand.u32 $0x4000, s31;
	s1 =	sadd.s32 s1, s30  }
0xba: {  	s0 =	sor.u32 s3, s0;
	s1 =	sshll.u32 s1, $0x11  }
0xbb: {  	s0 =	sor.u32 s1, s0  }
0xbc: {  	s0 =	sadd.s32 $0x8F2B, s0  }
0xbd: {  	[sflag:s0] =	ssyncadd.remote.s32 $0x1  }
0xbe: {  	_ =	sfence.sel $0xFFFF  }
0xbf: {  	[dreg:$0x0] =	wrdreg $0xFFFFFFFF;
	(pc) =	sbr.abs _section_cstart, $3  }
0xc0: {  	[dreg:$0x1] =	wrdreg $0xFFFFFFFF  }
0xc1: {  	_ =	task.clear_ibuf [dreg:s6], $0x2FFFF;
	_ =	strace $0x9FFFFFFF  }
0xc2: {  	(tm) =	ssettm $0x7FFFFFFF  }
0xc3: {  	_ =	shalt  }
tec
execute0_lowered:
.L_overlay_start_1:
0x0: {  	(tag) =	ssettag $0x1  }
0x1: {  	s1 =	srdreg.scid  }
0x2: {  	s0 =	stileid.u32;
	s5 =	rddreg [dreg:$0x0]  }
0x3: {  	s2 =	rddreg [dreg:$0x1];
	s3 =	simm.s32 $0x0;
	s12 =	simm.s32 $0x2800  }
0x4: {  	s13 =	simm.s32 $0x80;
	s14 =	simm.s32 $0x0;
	s4 =	sand.u32 $0x1, s1  }
0x5: {  	s28 =	sshll.u32 s0, $0x1;
	s7 =	smul.u32 $0x2780, s0;
	[smem:$0x7FF] =	sst s3  }
0x6: {  	s31 =	sshll.u32 s0, $0x6;
	s1 =	sor.u32 s4, s28;
	s8 =	smul.u32 $0x27800, s4  }
0x7: {  	s10 =	ssub.s32 $0x2, s4;
	s4 =	sadd.s32 $0x11600, s5;
	s6 =	smul.u32 $0x500, s1  }
0x8: {  	s1 =	rddreg [dreg:$0x2];
	_ =	strace $0x80000047;
	s29 =	sshrl.u32 s7, $0x3  }
0x9: {  	s11 =	sshrl.u32 s10, $0x1;
	s30 =	sadd.s32 s7, s2;
	s8 =	sadd.s32 s7, s8  }
0xa: {  	s10 =	ssub.s32 s10, s11;
	s11 =	simm.s32 $0x1;
	s8 =	sshrl.u32 s8, $0x3  }
0xb: {  	s9 =	sadd.s32 s6, s5;
	s6 =	sadd.s32 s29, s5;
	s8 =	sadd.s32 s8, s5  }
0xc: {  	s5 =	sadd.s32 $0xC600, s6;
	s6 =	sor.u32 $0x1C01, s31;
	s7 =	sadd.s32 $0x2600, s9  }
0xd: {  	s9 =	smax.u32 s10, $0x1;
	s10 =	sshrl.u32 s30, $0x3;
	s8 =	sadd.s32 $0x11800, s8  }
.LBB2_1:
0xe: {  	[spmem:s10], [sflag:s6] =	dma.local [hbm:s5], $0x4F0  }
0xf: {  	_ =	swait.ge [sflag:s11], $0x4F0  }
0x10: {  	[sflag:s11] =	ssyncset.done $0x0  }
0x11: {  	[sflag:s11] =	ssyncadd.s32 $0xFFFFFB10  }
0x12: {  	[tilespmem:s3], [sflag:$0x1] =	stream.linear.gather [hbm4b:s7+s3], $0x2800, $0x38;
	[tilespmem:$0x5780] =	vst v63  }
0x13: {  	_ =	swait.ge [sflag:s11], $0x2800  }
0x14: {  	[sflag:s11] =	ssyncset.done $0x0  }
0x15: {  	[sflag:s11] =	ssyncadd.s32 $0xFFFFD800  }
0x16: {  	[tilespmem:s12], [sflag:$0x1] =	stream.linear.gather [hbm4b:s4+s3], $0x800, $0x38;
	[tilespmem:$0x5780] =	vst v63  }
0x17: {  	_ =	swait.ge [sflag:s11], $0x800  }
0x18: {  	[sflag:s11] =	ssyncset.done $0x0  }
0x19: {  	[sflag:s11] =	ssyncadd.s32 $0xFFFFF800  }
0x1a: {  	s15 =	simm.s32 $0x0;
	[bflag:$0x0] =	sbarrier.arrive $0xFFFF  }
0x1b: {  	[spmem:s2] =	stream.indirect.scatter.add.f32 [tilespmem:s12], [sflag:$0x1], $0x10, s15, s13, $0xb8;
	[tilespmem:$0x5780] =	vst v63  }
0x1c: {  	_ =	swait.ge [sflag:s11], $0x800  }
0x1d: {  	s15 =	simm.s32 $0x200;
	[sflag:s11] =	ssyncset.done $0x0  }
.LBB2_2:
0x1e: {  	s16 =	sshra.s32 s15, $0x2;
	[sflag:s11] =	ssyncadd.s32 $0xFFFFF800;
	p0 =	sne.s32 s15, $0x9E00  }
0x1f: {  	[spmem:s2] =	stream.indirect.scatter.add.f32 [tilespmem:s12], [sflag:$0x1], $0x10, s16, s13, $0xb8;
	[tilespmem:$0x5780] =	vst v63  }
.Ltmp0:
0x20: {  	_ = 	snop;
	(pc) =	sbr.rel @p0 .LBB2_2-.Ltmp0, $4  }
0x21: {  	_ = 	snop  }
0x22: {  	s15 =	sadd.s32 $0x200, s15  }
0x23: {  	_ =	swait.ge [sflag:s11], $0x800  }
0x24: {  	[sflag:s11] =	ssyncset.done $0x0  }
0x25: {  	s14 =	sadd.s32 $0x1, s14  }
0x26: {  	[sflag:s11] =	ssyncadd.s32 $0xFFFFF800;
	p0 =	sne.s32 s14, s9  }
.Ltmp1:
0x27: {  	[bflag:$0x0] =	sbarrier.arrive $0xFFFF;
	(pc) =	sbr.rel @p0 .LBB2_1-.Ltmp1, $4  }
0x28: {  	[hbm:s8], [sflag:s6] =	dma.local [spmem:s10], $0x4F0  }
0x29: {  	_ =	swait.ge [sflag:s11], $0x4F0  }
0x2a: {  	[sflag:s11] =	ssyncset.done $0x0  }
0x2b: {  	[sflag:s11] =	ssyncadd.s32 $0xFFFFFB10  }
0x2c: {  	_ =	sfence.sel $0x180000  }
0x2d: {  	[bflag:$0x0] =	sbarrier.arrive $0xFFFF  }
0x2e: {  	p0 =	sne.s32 s0, $0x0;
	_ =	strace $0x90000047  }
0x2f: {  	s0 =	sadd.s32 @!p0 $0x100000, s1;
	[bflag:$0x2] =	sbarrier.arrive $0xFFFF  }
0x30: {  	[sflag:s0] =	ssyncadd.tile.s32 @!p0 $0x1;
	_ =	shalt  }
.Lfunc_end2:
_tile_overlayer_lowered:
.L_overlay_start_2:
0x31: {  	(tag) =	ssettag $0x2  }
0x32: {  	s0 =	rddreg [dreg:$0x0];
	s2 =	stileid.u32  }
0x33: {  	s1 =	rddreg [dreg:$0x1];
	p0 =	sne.s32 s2, $0x0  }
0x34: {  	s3 =	rddreg [dreg:$0x2];
	[bflag:$0x3] =	sbarrier.arrive $0xFFFF;
	s2 =	simm.s32 @!p0 $0x1C01  }
0x35: {  	[timem:s3], [sflag:s2] =	dma.local @!p0 [hbm:s0], s1  }
0x36: {  	s0 =	simm.s32 @!p0 $0x1  }
0x37: {  	_ =	swait.ge @!p0 [sflag:s0], s1  }
0x38: {  	s1 =	ssub.s32 @!p0 $0x0, s1;
	[sflag:s0] =	ssyncset.done @!p0 $0x0  }
0x39: {  	[sflag:s0] =	ssyncadd.s32 @!p0 s1  }
0x3a: {  	[bflag:$0x3] =	sbarrier.arrive $0xFFFF  }
0x3b: {  	_ =	shalt  }

</sc_bundles>
